<compile_context>
chip_gen: v7x
topology: tpu7x:2x2x1
jax: 0.10.2.dev20260603
libtpu: 0.0.44.dev20260713+nightly
codegen_flags: <defaults>
</compile_context>

<pallas_src>
import functools

import jax
import jax.numpy as jnp
from jax import lax
from jax.experimental import pallas as pl
from jax.experimental.pallas import tpu as pltpu
from jax.experimental.pallas import tpu_sc as plsc

NC = 2
NS = 16
NW = NC * NS
LANES = 16

CHUNK = 96



def _deg_body(edges_hbm, out_hbm, src_v, hist_v, sem, *, epw):
    c = lax.axis_index("c")
    s = lax.axis_index("s")
    wid = s * NC + c
    base = wid * epw

    pltpu.sync_copy(edges_hbm.at[pl.ds(base, epw)], src_v)

    zeros = jnp.zeros((LANES,), jnp.float32)
    n_bins = hist_v.shape[0]

    def zero_body(i, _):
        hist_v[pl.ds(i * LANES, LANES)] = zeros
        return 0

    lax.fori_loop(0, n_bins // LANES, zero_body, 0)

    ones = jnp.ones((LANES,), jnp.float32)

    def body(i, _):
        for u in range(4):
            idx = src_v[pl.ds((i * 4 + u) * LANES, LANES)]
            plsc.addupdate_scatter(hist_v, [idx], ones)
        return 0

    lax.fori_loop(0, epw // (4 * LANES), body, 0)
    for i in range(epw // (4 * LANES) * 4, epw // LANES):
        idx = src_v[pl.ds(i * LANES, LANES)]
        plsc.addupdate_scatter(hist_v, [idx], ones)

    pltpu.sync_copy(hist_v, out_hbm.at[wid])


def _degree_partials(edges, npad):
    e = edges.shape[0] // 2
    epw = e // NW
    mesh = plsc.VectorSubcoreMesh(core_axis_name="c", subcore_axis_name="s")
    kern = functools.partial(
        pl.kernel,
        out_type=jax.ShapeDtypeStruct((NW, npad), jnp.float32),
        mesh=mesh,
        scratch_types=[
            pltpu.VMEM((epw,), jnp.int32),
            pltpu.VMEM((npad,), jnp.float32),
            pltpu.SemaphoreType.DMA,
        ],
        compiler_params=pltpu.CompilerParams(needs_layout_passes=False),
    )(functools.partial(_deg_body, epw=epw))
    return kern(edges)



def _norm_col(dp_block):
    ones = jnp.ones((dp_block.shape[0], 1), jnp.float32)
    deg = lax.dot_general(dp_block, ones, (((0,), (0,)), ((), ())),
                          preferred_element_type=jnp.float32)
    return lax.rsqrt(jnp.maximum(deg, 1.0))


def _feat_body(dp_ref, f_ref, feat_ref, norm_ref):
    norm = _norm_col(dp_ref[...])
    norm_ref[...] = norm
    feat_ref[...] = f_ref[...] * norm


def _scaled_features(deg_part, features_pad):
    npad, d = features_pad.shape
    blk = 5120
    grid = npad // blk
    return pl.pallas_call(
        _feat_body,
        grid=(grid,),
        in_specs=[
            pl.BlockSpec((NW, blk), lambda i: (0, i)),
            pl.BlockSpec((blk, d), lambda i: (i, 0)),
        ],
        out_specs=[
            pl.BlockSpec((blk, d), lambda i: (i, 0)),
            pl.BlockSpec((blk, 1), lambda i: (i, 0)),
        ],
        out_shape=[
            jax.ShapeDtypeStruct((npad, d), jnp.float32),
            jax.ShapeDtypeStruct((npad, 1), jnp.float32),
        ],
    )(deg_part, features_pad)



def _agg_body(feat_hbm, edges_hbm, out_hbm,
              src_v, dstc0_v, dstc1_v, dstc2_v, dstt_v, rows_v,
              acc_sh,
              gsem0, gsem1, gsem2,
              isem0, isem1, isem2,
              ssem0, ssem1, ssem2, *, npad, epw, e):
    c = lax.axis_index("c")
    s = lax.axis_index("s")
    wid = s * NC + c
    base = wid * epw
    nchunk = epw // CHUNK
    tail = epw - nchunk * CHUNK
    assert (nchunk - 2) % 3 == 0 and nchunk >= 5
    assert tail % 8 == 0 and 0 < tail <= CHUNK
    d = rows_v.shape[1]

    pltpu.sync_copy(edges_hbm.at[pl.ds(base, epw)], src_v)

    dstc = (dstc0_v, dstc1_v, dstc2_v)
    gsem = (gsem0, gsem1, gsem2)
    isem = (isem0, isem1, isem2)
    ssem = (ssem0, ssem1, ssem2)

    def start_idx(ci, b):
        off = pl.multiple_of(ci * CHUNK, 8)
        pltpu.async_copy(edges_hbm.at[pl.ds(e + base + off, CHUNK)],
                         dstc[b], isem[b])

    def wait_idx(b):
        pltpu.make_async_copy(edges_hbm.at[pl.ds(0, CHUNK)],
                              dstc[b], isem[b]).wait()

    def rows_at(b):
        return rows_v.at[pl.ds(b * CHUNK, CHUNK)]

    def start_gather(ci, b):
        off = pl.multiple_of(ci * CHUNK, 8)
        pltpu.async_copy(feat_hbm.at[src_v.at[pl.ds(off, CHUNK)]],
                         rows_at(b), gsem[b])

    def wait_gather(b):
        pltpu.make_async_copy(feat_hbm.at[src_v.at[pl.ds(0, CHUNK)]],
                              rows_at(b), gsem[b]).wait()

    def start_scatter(b):
        pltpu.async_copy(rows_at(b), acc_sh.at[dstc[b]], ssem[b], add=True)

    def wait_scatter(b):
        pltpu.make_async_copy(rows_at(b), acc_sh.at[dstc[b]], ssem[b]).wait()

    start_idx(0, 0)
    start_gather(0, 0)
    start_idx(1, 1)
    start_gather(1, 1)

    zeros = jnp.zeros((LANES,), jnp.float32)
    zb = 2 * CHUNK

    def zero_body(i, _):
        r = zb + i // (d // LANES)
        col = (i % (d // LANES)) * LANES
        rows_v[r, pl.ds(col, LANES)] = zeros
        return 0

    lax.fori_loop(0, CHUNK * (d // LANES), zero_body, 0)
    rows_per_tile = npad // NS
    r0 = s * rows_per_tile
    off = 0
    while off < rows_per_tile:
        nrows = min(CHUNK, rows_per_tile - off)
        pltpu.sync_copy(rows_v.at[pl.ds(zb, nrows)],
                        acc_sh.at[pl.ds(r0 + off, nrows)])
        off += nrows
    plsc.subcore_barrier()

    def group_body(g, _):
        ci0 = 3 * g
        for j in range(3):
            ci = ci0 + j
            jp = (j + 2) % 3
            wait_idx(j)
            wait_gather(j)
            start_scatter(j)

            @pl.when(ci >= 1)
            def _():
                wait_scatter(jp)

            start_idx(ci + 2, jp)
            start_gather(ci + 2, jp)
        return 0

    ngroups = (nchunk - 2) // 3
    lax.fori_loop(0, ngroups, group_body, 0)

    for t in range(2):
        j = (nchunk - 2 + t) % 3
        jp = (j + 2) % 3
        wait_idx(j)
        wait_gather(j)
        start_scatter(j)
        wait_scatter(jp)
    wait_scatter((nchunk - 1) % 3)

    toff = pl.multiple_of(nchunk * CHUNK, 8)
    pltpu.async_copy(edges_hbm.at[pl.ds(e + base + toff, tail)],
                     dstt_v, isem0)
    pltpu.async_copy(feat_hbm.at[src_v.at[pl.ds(toff, tail)]],
                     rows_v.at[pl.ds(0, tail)], gsem0)
    pltpu.make_async_copy(edges_hbm.at[pl.ds(0, tail)], dstt_v, isem0).wait()
    pltpu.make_async_copy(feat_hbm.at[src_v.at[pl.ds(0, tail)]],
                          rows_v.at[pl.ds(0, tail)], gsem0).wait()
    pltpu.sync_copy(rows_v.at[pl.ds(0, tail)], acc_sh.at[dstt_v], add=True)

    plsc.subcore_barrier()

    off = 0
    while off < rows_per_tile:
        nrows = min(3 * CHUNK, rows_per_tile - off)
        pltpu.sync_copy(acc_sh.at[pl.ds(r0 + off, nrows)],
                        out_hbm.at[c, pl.ds(r0 + off, nrows)])
        off += nrows


def _aggregate_partials(feat, edges, npad):
    _, d = feat.shape
    e = edges.shape[0] // 2
    epw = e // NW
    mesh = plsc.VectorSubcoreMesh(core_axis_name="c", subcore_axis_name="s")
    kern = functools.partial(
        pl.kernel,
        out_type=jax.ShapeDtypeStruct((NC, npad, d), jnp.float32),
        mesh=mesh,
        scratch_types=[
            pltpu.VMEM((epw,), jnp.int32),
            pltpu.VMEM((CHUNK,), jnp.int32),
            pltpu.VMEM((CHUNK,), jnp.int32),
            pltpu.VMEM((CHUNK,), jnp.int32),
            pltpu.VMEM((epw - (epw // CHUNK) * CHUNK,), jnp.int32),
            pltpu.VMEM((3 * CHUNK, d), jnp.float32),
            pltpu.VMEM_SHARED((npad, d), jnp.float32),
        ] + [pltpu.SemaphoreType.DMA] * 9,
        compiler_params=pltpu.CompilerParams(needs_layout_passes=False),
    )(functools.partial(_agg_body, npad=npad, epw=epw, e=e))
    return kern(feat, edges)



def _head_body(p_ref, norm_ref, wgc_ref, bgc_ref, wl_ref, blin_ref,
               out_ref, out2_ref):
    agg = p_ref[0] + p_ref[1]
    rst = jnp.dot(agg, wgc_ref[...], preferred_element_type=jnp.float32)
    rst = rst * norm_ref[...] + bgc_ref[...]
    h = jnp.maximum(rst, 0.0)
    out = lax.dot_general(h, wl_ref[...], (((1,), (1,)), ((), ())),
                          preferred_element_type=jnp.float32) + blin_ref[...]
    out_ref[...] = out
    out2_ref[...] = out


def _head(parts, norm, w_gc, b_gc, w_lin, b_lin, n):
    _, npad, d = parts.shape
    d_out = w_lin.shape[0]
    blk = 2000
    grid = n // blk
    return pl.pallas_call(
        _head_body,
        grid=(grid,),
        in_specs=[
            pl.BlockSpec((2, blk, d), lambda i: (0, i, 0)),
            pl.BlockSpec((blk, 1), lambda i: (i, 0)),
            pl.BlockSpec((d, d), lambda i: (0, 0)),
            pl.BlockSpec((1, d), lambda i: (0, 0)),
            pl.BlockSpec((d_out, d), lambda i: (0, 0)),
            pl.BlockSpec((1, d_out), lambda i: (0, 0)),
        ],
        out_specs=[pl.BlockSpec((blk, d_out), lambda i: (i, 0)),
                   pl.BlockSpec((blk, d_out), lambda i: (i, 0))],
        out_shape=[jax.ShapeDtypeStruct((n, d_out), jnp.float32),
                   jax.ShapeDtypeStruct((n, d_out), jnp.float32)],
    )(parts, norm, w_gc, b_gc, w_lin, b_lin)


def kernel(n_subgraph, e_subgraph, to_fetch, features, W_gc, b_gc, W_lin, b_lin):
    n = n_subgraph.shape[0]

    npad = ((n + NS * 128 - 1) // (NS * 128)) * (NS * 128)
    features_pad = jnp.pad(features, ((0, npad - n), (0, 0)))
    edges_flat = e_subgraph.reshape(-1)
    deg_part = _degree_partials(edges_flat, npad)
    feat, norm = _scaled_features(deg_part, features_pad)
    parts = _aggregate_partials(feat, edges_flat, npad)
    out, out2 = _head(parts, norm, W_gc, b_gc.reshape(1, -1),
                      W_lin, b_lin.reshape(1, -1), n)
    return (out, out2)

# --- scband reference (transcript-rebuilt; emitter-appended) ---
"""Pipeline reference for scband-classifier-45483703664785 (READ-ONLY COPY).

The authoritative reference and input builder live on the scoring server;
editing this copy changes nothing except your own understanding.
"""

import jax, jax.numpy as jnp
import numpy as np

N = 10000
E = 320000
D_IN = 128
D_HID = 128
D_OUT = 64


def setup_inputs(seed: int = 0) -> dict:
    key = jax.random.key(seed)
    k1, k2, k3, k4 = jax.random.split(key, 4)
    n_subgraph = jnp.arange(N, dtype=jnp.int32)
    e_subgraph = jax.random.randint(k1, (2, E), 0, N, dtype=jnp.int32)
    to_fetch = jnp.arange(N, dtype=jnp.int32)
    features = jax.random.normal(k2, (N, D_IN), dtype=jnp.float32)
    # GraphConv params: weight [in, out] (xavier-uniform-like), bias [out]
    limit = float(np.sqrt(6.0 / (D_IN + D_HID)))
    W_gc = jax.random.uniform(k3, (D_IN, D_HID), minval=-limit, maxval=limit, dtype=jnp.float32)
    b_gc = jnp.zeros((D_HID,), dtype=jnp.float32)
    # Linear params: weight [out, in] (kaiming-normal-like), bias [out]
    std = float(np.sqrt(2.0 / D_HID))
    W_lin = jax.random.normal(k4, (D_OUT, D_HID), dtype=jnp.float32) * std
    b_lin = jnp.zeros((D_OUT,), dtype=jnp.float32)
    return {"n_subgraph": n_subgraph, "e_subgraph": e_subgraph, "to_fetch": to_fetch,
            "features": features, "W_gc": W_gc, "b_gc": b_gc, "W_lin": W_lin, "b_lin": b_lin}


def reference(n_subgraph, e_subgraph, to_fetch, features, W_gc, b_gc, W_lin, b_lin):
    num_nodes = n_subgraph.shape[0]
    src = e_subgraph[0]
    dst = e_subgraph[1]
    h = features.astype(jnp.float32)
    # GraphConv with symmetric-ish norm based on degree of e_subgraph[0]
    deg = jnp.zeros((num_nodes,), dtype=jnp.float32).at[src].add(1.0)
    norm = jnp.power(jnp.clip(deg, 1.0, None), -0.5)[:, None]
    feat = h * norm
    # in_feats (128) not > out_feats (128) -> aggregate first, then matmul
    agg = jax.ops.segment_sum(feat[src], dst, num_segments=num_nodes)
    rst = agg @ W_gc
    rst = rst * norm
    rst = rst + b_gc
    h = jax.nn.relu(rst)
    # Linear layer: F.linear(h, W, b) with W [out, in]
    out = h @ W_lin.T + b_lin
    return (out, out)

if __name__ == "__main__":
    import jax
    _d = setup_inputs()
    print(jax.jit(kernel)(*tuple(_d.values())))

</pallas_src>

<mosaic_0001>
#map = affine_map<(d0, d1) -> (0, 0)>
#map1 = affine_map<(d0, d1) -> (0)>
#map2 = affine_map<(d0, d1) -> (0, 0, 0)>
module attributes {stable_mosaic.version = 14 : i64} {
  func.func @_agg_body(%arg0: i32, %arg1: i32, %arg2: memref<10240x128xf32, #tpu.memory_space<hbm>>, %arg3: memref<640000xi32, #tpu.memory_space<hbm>>, %arg4: memref<2x10240x128xf32, #tpu.memory_space<hbm>>, %arg5: memref<10000xi32, #tpu.memory_space<vmem>>, %arg6: memref<96xi32, #tpu.memory_space<vmem>>, %arg7: memref<96xi32, #tpu.memory_space<vmem>>, %arg8: memref<96xi32, #tpu.memory_space<vmem>>, %arg9: memref<16xi32, #tpu.memory_space<vmem>>, %arg10: memref<288x128xf32, #tpu.memory_space<vmem>>, %arg11: memref<10240x128xf32, #tpu.memory_space<vmem_shared>>, %arg12: memref<!tpu.dma_semaphore, #tpu.memory_space<semaphore_mem>>, %arg13: memref<!tpu.dma_semaphore, #tpu.memory_space<semaphore_mem>>, %arg14: memref<!tpu.dma_semaphore, #tpu.memory_space<semaphore_mem>>, %arg15: memref<!tpu.dma_semaphore, #tpu.memory_space<semaphore_mem>>, %arg16: memref<!tpu.dma_semaphore, #tpu.memory_space<semaphore_mem>>, %arg17: memref<!tpu.dma_semaphore, #tpu.memory_space<semaphore_mem>>, %arg18: memref<!tpu.dma_semaphore, #tpu.memory_space<semaphore_mem>>, %arg19: memref<!tpu.dma_semaphore, #tpu.memory_space<semaphore_mem>>, %arg20: memref<!tpu.dma_semaphore, #tpu.memory_space<semaphore_mem>>) attributes {dimension_semantics = [#tpu.dimension_semantics<core_parallel>, #tpu.dimension_semantics<subcore_parallel>], iteration_bounds = array<i64: 2, 16>, scalar_prefetch = 0 : i64, scratch_operands = 16 : i64, tpu.core_type = #tpu.core_type<sc_vector_subcore>, window_params = [{transform_indices = #map}, {transform_indices = #map1}, {transform_indices = #map2}]} {
    %mul3A = arith.constant 2 : i32
    %mul3A_0 = arith.muli %arg1, %mul3A : i32
    %add3A = arith.addi %mul3A_0, %arg0 : i32
    %mul3A_1 = arith.constant 10000 : i32
    %mul3A_2 = arith.muli %add3A, %mul3A_1 : i32
    "tpu.region"() ({
      %run_scoped3A = tpu.sem_alloc : memref<!tpu.dma_semaphore, #tpu.memory_space<semaphore_mem>>
      %dma_start3A_155 = tpu.memref_slice %arg3[%mul3A_2] : memref<640000xi32, #tpu.memory_space<hbm>> -> memref<10000xi32, #tpu.memory_space<hbm>>
      %dma_start3A_156 = tpu.memref_slice %arg3[%mul3A_2] : memref<640000xi32, #tpu.memory_space<hbm>> -> memref<10000xi32, #tpu.memory_space<hbm>>
      tpu.enqueue_dma source(%dma_start3A_156 : memref<10000xi32, #tpu.memory_space<hbm>>) target(%arg5 : memref<10000xi32, #tpu.memory_space<vmem>>) target_semaphore(%run_scoped3A : memref<!tpu.dma_semaphore, #tpu.memory_space<semaphore_mem>>)
      %dma_wait3A_157 = tpu.memref_slice %arg3[%mul3A_2] : memref<640000xi32, #tpu.memory_space<hbm>> -> memref<10000xi32, #tpu.memory_space<hbm>>
      %dma_wait3A_158 = tpu.memref_slice %arg3[%mul3A_2] : memref<640000xi32, #tpu.memory_space<hbm>> -> memref<10000xi32, #tpu.memory_space<hbm>>
      tpu.wait_dma2 semaphore(%run_scoped3A : memref<!tpu.dma_semaphore, #tpu.memory_space<semaphore_mem>>) src(%dma_wait3A_158 : memref<10000xi32, #tpu.memory_space<hbm>>) dst(%arg5 : memref<10000xi32, #tpu.memory_space<vmem>>)
      tpu.yield
    }) : () -> ()
    %multiple_of3A = arith.constant 0 : i32
    %multiple_of3A_3 = tpu.assume_multiple %multiple_of3A, 8 : i32
    %add3A_4 = arith.constant 320000 : i32
    %add3A_5 = arith.addi %add3A_4, %mul3A_2 : i32
    %add3A_6 = arith.addi %add3A_5, %multiple_of3A_3 : i32
    %dma_start3A = tpu.memref_slice %arg3[%add3A_6] : memref<640000xi32, #tpu.memory_space<hbm>> -> memref<96xi32, #tpu.memory_space<hbm>>
    %dma_start3A_7 = tpu.memref_slice %arg3[%add3A_6] : memref<640000xi32, #tpu.memory_space<hbm>> -> memref<96xi32, #tpu.memory_space<hbm>>
    tpu.enqueue_dma source(%dma_start3A_7 : memref<96xi32, #tpu.memory_space<hbm>>) target(%arg6 : memref<96xi32, #tpu.memory_space<vmem>>) target_semaphore(%arg15 : memref<!tpu.dma_semaphore, #tpu.memory_space<semaphore_mem>>)
    %multiple_of3A_8 = arith.constant 0 : i32
    %multiple_of3A_9 = tpu.assume_multiple %multiple_of3A_8, 8 : i32
    %dma_start3A_10 = arith.constant 0 : i32
    %dma_start3A_11 = arith.constant 0 : i32
    %dma_start3A_12 = tpu.memref_slice %arg10[%dma_start3A_10, %dma_start3A_11] : memref<288x128xf32, #tpu.memory_space<vmem>> -> memref<96x128xf32, #tpu.memory_space<vmem>>
    %dma_start3A_13 = tpu.memref_slice %arg5[%multiple_of3A_9] : memref<10000xi32, #tpu.memory_space<vmem>> -> memref<96xi32, #tpu.memory_space<vmem>>
    %dma_start3A_14 = arith.constant 0 : i32
    %dma_start3A_15 = arith.constant 0 : i32
    %dma_start3A_16 = tpu.memref_slice %arg2[%dma_start3A_14, %dma_start3A_15] : memref<10240x128xf32, #tpu.memory_space<hbm>> -> memref<10240x128xf32, #tpu.memory_space<hbm>>
    tpu.enqueue_indirect_dma source(%dma_start3A_16 : memref<10240x128xf32, #tpu.memory_space<hbm>>) target(%dma_start3A_12 : memref<96x128xf32, #tpu.memory_space<vmem>>) offsets(%dma_start3A_13 : memref<96xi32, #tpu.memory_space<vmem>>) semaphore(%arg12 : memref<!tpu.dma_semaphore, #tpu.memory_space<semaphore_mem>>)
    %multiple_of3A_17 = arith.constant 96 : i32
    %multiple_of3A_18 = tpu.assume_multiple %multiple_of3A_17, 8 : i32
    %add3A_19 = arith.constant 320000 : i32
    %add3A_20 = arith.addi %add3A_19, %mul3A_2 : i32
    %add3A_21 = arith.addi %add3A_20, %multiple_of3A_18 : i32
    %dma_start3A_22 = tpu.memref_slice %arg3[%add3A_21] : memref<640000xi32, #tpu.memory_space<hbm>> -> memref<96xi32, #tpu.memory_space<hbm>>
    %dma_start3A_23 = tpu.memref_slice %arg3[%add3A_21] : memref<640000xi32, #tpu.memory_space<hbm>> -> memref<96xi32, #tpu.memory_space<hbm>>
    tpu.enqueue_dma source(%dma_start3A_23 : memref<96xi32, #tpu.memory_space<hbm>>) target(%arg7 : memref<96xi32, #tpu.memory_space<vmem>>) target_semaphore(%arg16 : memref<!tpu.dma_semaphore, #tpu.memory_space<semaphore_mem>>)
    %multiple_of3A_24 = arith.constant 96 : i32
    %multiple_of3A_25 = tpu.assume_multiple %multiple_of3A_24, 8 : i32
    %dma_start3A_26 = arith.constant 96 : i32
    %dma_start3A_27 = arith.constant 0 : i32
    %dma_start3A_28 = tpu.memref_slice %arg10[%dma_start3A_26, %dma_start3A_27] : memref<288x128xf32, #tpu.memory_space<vmem>> -> memref<96x128xf32, #tpu.memory_space<vmem>>
    %dma_start3A_29 = tpu.memref_slice %arg5[%multiple_of3A_25] : memref<10000xi32, #tpu.memory_space<vmem>> -> memref<96xi32, #tpu.memory_space<vmem>>
    %dma_start3A_30 = arith.constant 0 : i32
    %dma_start3A_31 = arith.constant 0 : i32
    %dma_start3A_32 = tpu.memref_slice %arg2[%dma_start3A_30, %dma_start3A_31] : memref<10240x128xf32, #tpu.memory_space<hbm>> -> memref<10240x128xf32, #tpu.memory_space<hbm>>
    tpu.enqueue_indirect_dma source(%dma_start3A_32 : memref<10240x128xf32, #tpu.memory_space<hbm>>) target(%dma_start3A_28 : memref<96x128xf32, #tpu.memory_space<vmem>>) offsets(%dma_start3A_29 : memref<96xi32, #tpu.memory_space<vmem>>) semaphore(%arg13 : memref<!tpu.dma_semaphore, #tpu.memory_space<semaphore_mem>>)
    %broadcast_in_dim3A = arith.constant 0.000000e+00 : f32
    %broadcast_in_dim3A_33 = vector.broadcast %broadcast_in_dim3A : f32 to vector<16xf32>
    %scan3A = arith.constant 0 : i32
    %scan3A_34 = arith.constant 0 : i32
    %scan3A_35 = arith.constant 768 : i32
    %scan3A_36 = arith.addi %scan3A_34, %scan3A_35 : i32
    %scan3A_37 = arith.constant 1 : i32
    %scan3A_38 = scf.for %scan3A_155 = %scan3A_34 to %scan3A_36 step %scan3A_37 iter_args(%scan3A_156 = %scan3A) -> (i32)  : i32 {
      %jit3A = arith.constant 8 : i32
      %div3A = arith.divsi %scan3A_155, %jit3A : i32
      %sign3A = arith.constant 0 : i32
      %sign3A_157 = arith.cmpi sgt, %scan3A_155, %sign3A : i32
      %sign3A_158 = arith.extui %sign3A_157 : i1 to i32
      %sign3A_159 = arith.constant 0 : i32
      %sign3A_160 = arith.cmpi slt, %scan3A_155, %sign3A_159 : i32
      %sign3A_161 = arith.extui %sign3A_160 : i1 to i32
      %sign3A_162 = arith.subi %sign3A_158, %sign3A_161 : i32
      %sign3A_163 = arith.constant 0 : i32
      %sign3A_164 = arith.cmpi sgt, %jit3A, %sign3A_163 : i32
      %sign3A_165 = arith.extui %sign3A_164 : i1 to i32
      %sign3A_166 = arith.constant 0 : i32
      %sign3A_167 = arith.cmpi slt, %jit3A, %sign3A_166 : i32
      %sign3A_168 = arith.extui %sign3A_167 : i1 to i32
      %sign3A_169 = arith.subi %sign3A_165, %sign3A_168 : i32
      %ne3A = arith.cmpi ne, %sign3A_162, %sign3A_169 : i32
      %rem3A = arith.remsi %scan3A_155, %jit3A : i32
      %ne3A_170 = arith.constant 0 : i32
      %ne3A_171 = arith.cmpi ne, %rem3A, %ne3A_170 : i32
      %and3A = arith.andi %ne3A, %ne3A_171 : i1
      %sub3A = arith.constant 1 : i32
      %sub3A_172 = arith.subi %div3A, %sub3A : i32
      %select_n3A = arith.select %and3A, %sub3A_172, %div3A : i32
      %add3A_173 = arith.constant 192 : i32
      %add3A_174 = arith.addi %add3A_173, %select_n3A : i32
      %jit3A_175 = arith.constant 8 : i32
      %eq3A = arith.constant 0 : i32
      %eq3A_176 = arith.cmpi eq, %jit3A_175, %eq3A : i32
      %jit3A_177 = arith.constant 1 : i32
      %select_n3A_178 = arith.select %eq3A_176, %jit3A_177, %jit3A_175 : i32
      %rem3A_179 = arith.remsi %scan3A_155, %select_n3A_178 : i32
      %ne3A_180 = arith.constant 0 : i32
      %ne3A_181 = arith.cmpi ne, %rem3A_179, %ne3A_180 : i32
      %lt3A = arith.constant 0 : i32
      %lt3A_182 = arith.cmpi slt, %rem3A_179, %lt3A : i32
      %lt3A_183 = arith.constant 0 : i32
      %lt3A_184 = arith.cmpi slt, %select_n3A_178, %lt3A_183 : i32
      %ne3A_185 = arith.xori %lt3A_182, %lt3A_184 : i1
      %and3A_186 = arith.andi %ne3A_185, %ne3A_181 : i1
      %add3A_187 = arith.addi %rem3A_179, %select_n3A_178 : i32
      %select_n3A_188 = arith.select %and3A_186, %add3A_187, %rem3A_179 : i32
      %mul3A_189 = arith.constant 16 : i32
      %mul3A_190 = arith.muli %select_n3A_188, %mul3A_189 : i32
      %swap3A = arith.index_cast %add3A_174 : i32 to index
      %swap3A_191 = arith.index_cast %mul3A_190 : i32 to index
      %swap3A_192 = tpu.vector_load %arg10[%swap3A, %swap3A_191] {strides = array<i32>} : memref<288x128xf32, #tpu.memory_space<vmem>>, vector<16xf32>,
      tpu.vector_store %arg10[%swap3A, %swap3A_191], %broadcast_in_dim3A_33 {strides = array<i32>} : memref<288x128xf32, #tpu.memory_space<vmem>>, vector<16xf32>,
      %scan3A_193 = arith.constant 0 : i32
      scf.yield %scan3A_193 : i32
    }
    %scan3A_39 = arith.constant 768 : i32
    %mul3A_40 = arith.constant 640 : i32
    %mul3A_41 = arith.muli %arg1, %mul3A_40 : i32
    %add3A_42 = arith.constant 0 : i32
    %add3A_43 = arith.addi %mul3A_41, %add3A_42 : i32
    "tpu.region"() ({
      %run_scoped3A = tpu.sem_alloc : memref<!tpu.dma_semaphore, #tpu.memory_space<semaphore_mem>>
      %dma_start3A_155 = arith.constant 192 : i32
      %dma_start3A_156 = arith.constant 0 : i32
      %dma_start3A_157 = tpu.memref_slice %arg10[%dma_start3A_155, %dma_start3A_156] : memref<288x128xf32, #tpu.memory_space<vmem>> -> memref<96x128xf32, #tpu.memory_space<vmem>>
      %dma_start3A_158 = arith.constant 0 : i32
      %dma_start3A_159 = tpu.memref_slice %arg11[%add3A_43, %dma_start3A_158] : memref<10240x128xf32, #tpu.memory_space<vmem_shared>> -> memref<96x128xf32, #tpu.memory_space<vmem_shared>>
      %dma_start3A_160 = arith.constant 0 : i32
      %dma_start3A_161 = tpu.memref_slice %arg11[%add3A_43, %dma_start3A_160] : memref<10240x128xf32, #tpu.memory_space<vmem_shared>> -> memref<96x128xf32, #tpu.memory_space<vmem_shared>>
      %dma_start3A_162 = arith.constant 192 : i32
      %dma_start3A_163 = arith.constant 0 : i32
      %dma_start3A_164 = tpu.memref_slice %arg10[%dma_start3A_162, %dma_start3A_163] : memref<288x128xf32, #tpu.memory_space<vmem>> -> memref<96x128xf32, #tpu.memory_space<vmem>>
      tpu.enqueue_dma source(%dma_start3A_164 : memref<96x128xf32, #tpu.memory_space<vmem>>) target(%dma_start3A_161 : memref<96x128xf32, #tpu.memory_space<vmem_shared>>) target_semaphore(%run_scoped3A : memref<!tpu.dma_semaphore, #tpu.memory_space<semaphore_mem>>)
      %dma_wait3A_165 = arith.constant 192 : i32
      %dma_wait3A_166 = arith.constant 0 : i32
      %dma_wait3A_167 = tpu.memref_slice %arg10[%dma_wait3A_165, %dma_wait3A_166] : memref<288x128xf32, #tpu.memory_space<vmem>> -> memref<96x128xf32, #tpu.memory_space<vmem>>
      %dma_wait3A_168 = arith.constant 0 : i32
      %dma_wait3A_169 = tpu.memref_slice %arg11[%add3A_43, %dma_wait3A_168] : memref<10240x128xf32, #tpu.memory_space<vmem_shared>> -> memref<96x128xf32, #tpu.memory_space<vmem_shared>>
      %dma_wait3A_170 = arith.constant 0 : i32
      %dma_wait3A_171 = tpu.memref_slice %arg11[%add3A_43, %dma_wait3A_170] : memref<10240x128xf32, #tpu.memory_space<vmem_shared>> -> memref<96x128xf32, #tpu.memory_space<vmem_shared>>
      %dma_wait3A_172 = arith.constant 192 : i32
      %dma_wait3A_173 = arith.constant 0 : i32
      %dma_wait3A_174 = tpu.memref_slice %arg10[%dma_wait3A_172, %dma_wait3A_173] : memref<288x128xf32, #tpu.memory_space<vmem>> -> memref<96x128xf32, #tpu.memory_space<vmem>>
      tpu.wait_dma2 semaphore(%run_scoped3A : memref<!tpu.dma_semaphore, #tpu.memory_space<semaphore_mem>>) src(%dma_wait3A_174 : memref<96x128xf32, #tpu.memory_space<vmem>>) dst(%dma_wait3A_171 : memref<96x128xf32, #tpu.memory_space<vmem_shared>>)
      tpu.yield
    }) : () -> ()
    %add3A_44 = arith.constant 96 : i32
    %add3A_45 = arith.addi %mul3A_41, %add3A_44 : i32
    "tpu.region"() ({
      %run_scoped3A = tpu.sem_alloc : memref<!tpu.dma_semaphore, #tpu.memory_space<semaphore_mem>>
      %dma_start3A_155 = arith.constant 192 : i32
      %dma_start3A_156 = arith.constant 0 : i32
      %dma_start3A_157 = tpu.memref_slice %arg10[%dma_start3A_155, %dma_start3A_156] : memref<288x128xf32, #tpu.memory_space<vmem>> -> memref<96x128xf32, #tpu.memory_space<vmem>>
      %dma_start3A_158 = arith.constant 0 : i32
      %dma_start3A_159 = tpu.memref_slice %arg11[%add3A_45, %dma_start3A_158] : memref<10240x128xf32, #tpu.memory_space<vmem_shared>> -> memref<96x128xf32, #tpu.memory_space<vmem_shared>>
      %dma_start3A_160 = arith.constant 0 : i32
      %dma_start3A_161 = tpu.memref_slice %arg11[%add3A_45, %dma_start3A_160] : memref<10240x128xf32, #tpu.memory_space<vmem_shared>> -> memref<96x128xf32, #tpu.memory_space<vmem_shared>>
      %dma_start3A_162 = arith.constant 192 : i32
      %dma_start3A_163 = arith.constant 0 : i32
      %dma_start3A_164 = tpu.memref_slice %arg10[%dma_start3A_162, %dma_start3A_163] : memref<288x128xf32, #tpu.memory_space<vmem>> -> memref<96x128xf32, #tpu.memory_space<vmem>>
      tpu.enqueue_dma source(%dma_start3A_164 : memref<96x128xf32, #tpu.memory_space<vmem>>) target(%dma_start3A_161 : memref<96x128xf32, #tpu.memory_space<vmem_shared>>) target_semaphore(%run_scoped3A : memref<!tpu.dma_semaphore, #tpu.memory_space<semaphore_mem>>)
      %dma_wait3A_165 = arith.constant 192 : i32
      %dma_wait3A_166 = arith.constant 0 : i32
      %dma_wait3A_167 = tpu.memref_slice %arg10[%dma_wait3A_165, %dma_wait3A_166] : memref<288x128xf32, #tpu.memory_space<vmem>> -> memref<96x128xf32, #tpu.memory_space<vmem>>
      %dma_wait3A_168 = arith.constant 0 : i32
      %dma_wait3A_169 = tpu.memref_slice %arg11[%add3A_45, %dma_wait3A_168] : memref<10240x128xf32, #tpu.memory_space<vmem_shared>> -> memref<96x128xf32, #tpu.memory_space<vmem_shared>>
      %dma_wait3A_170 = arith.constant 0 : i32
      %dma_wait3A_171 = tpu.memref_slice %arg11[%add3A_45, %dma_wait3A_170] : memref<10240x128xf32, #tpu.memory_space<vmem_shared>> -> memref<96x128xf32, #tpu.memory_space<vmem_shared>>
      %dma_wait3A_172 = arith.constant 192 : i32
      %dma_wait3A_173 = arith.constant 0 : i32
      %dma_wait3A_174 = tpu.memref_slice %arg10[%dma_wait3A_172, %dma_wait3A_173] : memref<288x128xf32, #tpu.memory_space<vmem>> -> memref<96x128xf32, #tpu.memory_space<vmem>>
      tpu.wait_dma2 semaphore(%run_scoped3A : memref<!tpu.dma_semaphore, #tpu.memory_space<semaphore_mem>>) src(%dma_wait3A_174 : memref<96x128xf32, #tpu.memory_space<vmem>>) dst(%dma_wait3A_171 : memref<96x128xf32, #tpu.memory_space<vmem_shared>>)
      tpu.yield
    }) : () -> ()
    %add3A_46 = arith.constant 192 : i32
    %add3A_47 = arith.addi %mul3A_41, %add3A_46 : i32
    "tpu.region"() ({
      %run_scoped3A = tpu.sem_alloc : memref<!tpu.dma_semaphore, #tpu.memory_space<semaphore_mem>>
      %dma_start3A_155 = arith.constant 192 : i32
      %dma_start3A_156 = arith.constant 0 : i32
      %dma_start3A_157 = tpu.memref_slice %arg10[%dma_start3A_155, %dma_start3A_156] : memref<288x128xf32, #tpu.memory_space<vmem>> -> memref<96x128xf32, #tpu.memory_space<vmem>>
      %dma_start3A_158 = arith.constant 0 : i32
      %dma_start3A_159 = tpu.memref_slice %arg11[%add3A_47, %dma_start3A_158] : memref<10240x128xf32, #tpu.memory_space<vmem_shared>> -> memref<96x128xf32, #tpu.memory_space<vmem_shared>>
      %dma_start3A_160 = arith.constant 0 : i32
      %dma_start3A_161 = tpu.memref_slice %arg11[%add3A_47, %dma_start3A_160] : memref<10240x128xf32, #tpu.memory_space<vmem_shared>> -> memref<96x128xf32, #tpu.memory_space<vmem_shared>>
      %dma_start3A_162 = arith.constant 192 : i32
      %dma_start3A_163 = arith.constant 0 : i32
      %dma_start3A_164 = tpu.memref_slice %arg10[%dma_start3A_162, %dma_start3A_163] : memref<288x128xf32, #tpu.memory_space<vmem>> -> memref<96x128xf32, #tpu.memory_space<vmem>>
      tpu.enqueue_dma source(%dma_start3A_164 : memref<96x128xf32, #tpu.memory_space<vmem>>) target(%dma_start3A_161 : memref<96x128xf32, #tpu.memory_space<vmem_shared>>) target_semaphore(%run_scoped3A : memref<!tpu.dma_semaphore, #tpu.memory_space<semaphore_mem>>)
      %dma_wait3A_165 = arith.constant 192 : i32
      %dma_wait3A_166 = arith.constant 0 : i32
      %dma_wait3A_167 = tpu.memref_slice %arg10[%dma_wait3A_165, %dma_wait3A_166] : memref<288x128xf32, #tpu.memory_space<vmem>> -> memref<96x128xf32, #tpu.memory_space<vmem>>
      %dma_wait3A_168 = arith.constant 0 : i32
      %dma_wait3A_169 = tpu.memref_slice %arg11[%add3A_47, %dma_wait3A_168] : memref<10240x128xf32, #tpu.memory_space<vmem_shared>> -> memref<96x128xf32, #tpu.memory_space<vmem_shared>>
      %dma_wait3A_170 = arith.constant 0 : i32
      %dma_wait3A_171 = tpu.memref_slice %arg11[%add3A_47, %dma_wait3A_170] : memref<10240x128xf32, #tpu.memory_space<vmem_shared>> -> memref<96x128xf32, #tpu.memory_space<vmem_shared>>
      %dma_wait3A_172 = arith.constant 192 : i32
      %dma_wait3A_173 = arith.constant 0 : i32
      %dma_wait3A_174 = tpu.memref_slice %arg10[%dma_wait3A_172, %dma_wait3A_173] : memref<288x128xf32, #tpu.memory_space<vmem>> -> memref<96x128xf32, #tpu.memory_space<vmem>>
      tpu.wait_dma2 semaphore(%run_scoped3A : memref<!tpu.dma_semaphore, #tpu.memory_space<semaphore_mem>>) src(%dma_wait3A_174 : memref<96x128xf32, #tpu.memory_space<vmem>>) dst(%dma_wait3A_171 : memref<96x128xf32, #tpu.memory_space<vmem_shared>>)
      tpu.yield
    }) : () -> ()
    %add3A_48 = arith.constant 288 : i32
    %add3A_49 = arith.addi %mul3A_41, %add3A_48 : i32
    "tpu.region"() ({
      %run_scoped3A = tpu.sem_alloc : memref<!tpu.dma_semaphore, #tpu.memory_space<semaphore_mem>>
      %dma_start3A_155 = arith.constant 192 : i32
      %dma_start3A_156 = arith.constant 0 : i32
      %dma_start3A_157 = tpu.memref_slice %arg10[%dma_start3A_155, %dma_start3A_156] : memref<288x128xf32, #tpu.memory_space<vmem>> -> memref<96x128xf32, #tpu.memory_space<vmem>>
      %dma_start3A_158 = arith.constant 0 : i32
      %dma_start3A_159 = tpu.memref_slice %arg11[%add3A_49, %dma_start3A_158] : memref<10240x128xf32, #tpu.memory_space<vmem_shared>> -> memref<96x128xf32, #tpu.memory_space<vmem_shared>>
      %dma_start3A_160 = arith.constant 0 : i32
      %dma_start3A_161 = tpu.memref_slice %arg11[%add3A_49, %dma_start3A_160] : memref<10240x128xf32, #tpu.memory_space<vmem_shared>> -> memref<96x128xf32, #tpu.memory_space<vmem_shared>>
      %dma_start3A_162 = arith.constant 192 : i32
      %dma_start3A_163 = arith.constant 0 : i32
      %dma_start3A_164 = tpu.memref_slice %arg10[%dma_start3A_162, %dma_start3A_163] : memref<288x128xf32, #tpu.memory_space<vmem>> -> memref<96x128xf32, #tpu.memory_space<vmem>>
      tpu.enqueue_dma source(%dma_start3A_164 : memref<96x128xf32, #tpu.memory_space<vmem>>) target(%dma_start3A_161 : memref<96x128xf32, #tpu.memory_space<vmem_shared>>) target_semaphore(%run_scoped3A : memref<!tpu.dma_semaphore, #tpu.memory_space<semaphore_mem>>)
      %dma_wait3A_165 = arith.constant 192 : i32
      %dma_wait3A_166 = arith.constant 0 : i32
      %dma_wait3A_167 = tpu.memref_slice %arg10[%dma_wait3A_165, %dma_wait3A_166] : memref<288x128xf32, #tpu.memory_space<vmem>> -> memref<96x128xf32, #tpu.memory_space<vmem>>
      %dma_wait3A_168 = arith.constant 0 : i32
      %dma_wait3A_169 = tpu.memref_slice %arg11[%add3A_49, %dma_wait3A_168] : memref<10240x128xf32, #tpu.memory_space<vmem_shared>> -> memref<96x128xf32, #tpu.memory_space<vmem_shared>>
      %dma_wait3A_170 = arith.constant 0 : i32
      %dma_wait3A_171 = tpu.memref_slice %arg11[%add3A_49, %dma_wait3A_170] : memref<10240x128xf32, #tpu.memory_space<vmem_shared>> -> memref<96x128xf32, #tpu.memory_space<vmem_shared>>
      %dma_wait3A_172 = arith.constant 192 : i32
      %dma_wait3A_173 = arith.constant 0 : i32
      %dma_wait3A_174 = tpu.memref_slice %arg10[%dma_wait3A_172, %dma_wait3A_173] : memref<288x128xf32, #tpu.memory_space<vmem>> -> memref<96x128xf32, #tpu.memory_space<vmem>>
      tpu.wait_dma2 semaphore(%run_scoped3A : memref<!tpu.dma_semaphore, #tpu.memory_space<semaphore_mem>>) src(%dma_wait3A_174 : memref<96x128xf32, #tpu.memory_space<vmem>>) dst(%dma_wait3A_171 : memref<96x128xf32, #tpu.memory_space<vmem_shared>>)
      tpu.yield
    }) : () -> ()
    %add3A_50 = arith.constant 384 : i32
    %add3A_51 = arith.addi %mul3A_41, %add3A_50 : i32
    "tpu.region"() ({
      %run_scoped3A = tpu.sem_alloc : memref<!tpu.dma_semaphore, #tpu.memory_space<semaphore_mem>>
      %dma_start3A_155 = arith.constant 192 : i32
      %dma_start3A_156 = arith.constant 0 : i32
      %dma_start3A_157 = tpu.memref_slice %arg10[%dma_start3A_155, %dma_start3A_156] : memref<288x128xf32, #tpu.memory_space<vmem>> -> memref<96x128xf32, #tpu.memory_space<vmem>>
      %dma_start3A_158 = arith.constant 0 : i32
      %dma_start3A_159 = tpu.memref_slice %arg11[%add3A_51, %dma_start3A_158] : memref<10240x128xf32, #tpu.memory_space<vmem_shared>> -> memref<96x128xf32, #tpu.memory_space<vmem_shared>>
      %dma_start3A_160 = arith.constant 0 : i32
      %dma_start3A_161 = tpu.memref_slice %arg11[%add3A_51, %dma_start3A_160] : memref<10240x128xf32, #tpu.memory_space<vmem_shared>> -> memref<96x128xf32, #tpu.memory_space<vmem_shared>>
      %dma_start3A_162 = arith.constant 192 : i32
      %dma_start3A_163 = arith.constant 0 : i32
      %dma_start3A_164 = tpu.memref_slice %arg10[%dma_start3A_162, %dma_start3A_163] : memref<288x128xf32, #tpu.memory_space<vmem>> -> memref<96x128xf32, #tpu.memory_space<vmem>>
      tpu.enqueue_dma source(%dma_start3A_164 : memref<96x128xf32, #tpu.memory_space<vmem>>) target(%dma_start3A_161 : memref<96x128xf32, #tpu.memory_space<vmem_shared>>) target_semaphore(%run_scoped3A : memref<!tpu.dma_semaphore, #tpu.memory_space<semaphore_mem>>)
      %dma_wait3A_165 = arith.constant 192 : i32
      %dma_wait3A_166 = arith.constant 0 : i32
      %dma_wait3A_167 = tpu.memref_slice %arg10[%dma_wait3A_165, %dma_wait3A_166] : memref<288x128xf32, #tpu.memory_space<vmem>> -> memref<96x128xf32, #tpu.memory_space<vmem>>
      %dma_wait3A_168 = arith.constant 0 : i32
      %dma_wait3A_169 = tpu.memref_slice %arg11[%add3A_51, %dma_wait3A_168] : memref<10240x128xf32, #tpu.memory_space<vmem_shared>> -> memref<96x128xf32, #tpu.memory_space<vmem_shared>>
      %dma_wait3A_170 = arith.constant 0 : i32
      %dma_wait3A_171 = tpu.memref_slice %arg11[%add3A_51, %dma_wait3A_170] : memref<10240x128xf32, #tpu.memory_space<vmem_shared>> -> memref<96x128xf32, #tpu.memory_space<vmem_shared>>
      %dma_wait3A_172 = arith.constant 192 : i32
      %dma_wait3A_173 = arith.constant 0 : i32
      %dma_wait3A_174 = tpu.memref_slice %arg10[%dma_wait3A_172, %dma_wait3A_173] : memref<288x128xf32, #tpu.memory_space<vmem>> -> memref<96x128xf32, #tpu.memory_space<vmem>>
      tpu.wait_dma2 semaphore(%run_scoped3A : memref<!tpu.dma_semaphore, #tpu.memory_space<semaphore_mem>>) src(%dma_wait3A_174 : memref<96x128xf32, #tpu.memory_space<vmem>>) dst(%dma_wait3A_171 : memref<96x128xf32, #tpu.memory_space<vmem_shared>>)
      tpu.yield
    }) : () -> ()
    %add3A_52 = arith.constant 480 : i32
    %add3A_53 = arith.addi %mul3A_41, %add3A_52 : i32
    "tpu.region"() ({
      %run_scoped3A = tpu.sem_alloc : memref<!tpu.dma_semaphore, #tpu.memory_space<semaphore_mem>>
      %dma_start3A_155 = arith.constant 192 : i32
      %dma_start3A_156 = arith.constant 0 : i32
      %dma_start3A_157 = tpu.memref_slice %arg10[%dma_start3A_155, %dma_start3A_156] : memref<288x128xf32, #tpu.memory_space<vmem>> -> memref<96x128xf32, #tpu.memory_space<vmem>>
      %dma_start3A_158 = arith.constant 0 : i32
      %dma_start3A_159 = tpu.memref_slice %arg11[%add3A_53, %dma_start3A_158] : memref<10240x128xf32, #tpu.memory_space<vmem_shared>> -> memref<96x128xf32, #tpu.memory_space<vmem_shared>>
      %dma_start3A_160 = arith.constant 0 : i32
      %dma_start3A_161 = tpu.memref_slice %arg11[%add3A_53, %dma_start3A_160] : memref<10240x128xf32, #tpu.memory_space<vmem_shared>> -> memref<96x128xf32, #tpu.memory_space<vmem_shared>>
      %dma_start3A_162 = arith.constant 192 : i32
      %dma_start3A_163 = arith.constant 0 : i32
      %dma_start3A_164 = tpu.memref_slice %arg10[%dma_start3A_162, %dma_start3A_163] : memref<288x128xf32, #tpu.memory_space<vmem>> -> memref<96x128xf32, #tpu.memory_space<vmem>>
      tpu.enqueue_dma source(%dma_start3A_164 : memref<96x128xf32, #tpu.memory_space<vmem>>) target(%dma_start3A_161 : memref<96x128xf32, #tpu.memory_space<vmem_shared>>) target_semaphore(%run_scoped3A : memref<!tpu.dma_semaphore, #tpu.memory_space<semaphore_mem>>)
      %dma_wait3A_165 = arith.constant 192 : i32
      %dma_wait3A_166 = arith.constant 0 : i32
      %dma_wait3A_167 = tpu.memref_slice %arg10[%dma_wait3A_165, %dma_wait3A_166] : memref<288x128xf32, #tpu.memory_space<vmem>> -> memref<96x128xf32, #tpu.memory_space<vmem>>
      %dma_wait3A_168 = arith.constant 0 : i32
      %dma_wait3A_169 = tpu.memref_slice %arg11[%add3A_53, %dma_wait3A_168] : memref<10240x128xf32, #tpu.memory_space<vmem_shared>> -> memref<96x128xf32, #tpu.memory_space<vmem_shared>>
      %dma_wait3A_170 = arith.constant 0 : i32
      %dma_wait3A_171 = tpu.memref_slice %arg11[%add3A_53, %dma_wait3A_170] : memref<10240x128xf32, #tpu.memory_space<vmem_shared>> -> memref<96x128xf32, #tpu.memory_space<vmem_shared>>
      %dma_wait3A_172 = arith.constant 192 : i32
      %dma_wait3A_173 = arith.constant 0 : i32
      %dma_wait3A_174 = tpu.memref_slice %arg10[%dma_wait3A_172, %dma_wait3A_173] : memref<288x128xf32, #tpu.memory_space<vmem>> -> memref<96x128xf32, #tpu.memory_space<vmem>>
      tpu.wait_dma2 semaphore(%run_scoped3A : memref<!tpu.dma_semaphore, #tpu.memory_space<semaphore_mem>>) src(%dma_wait3A_174 : memref<96x128xf32, #tpu.memory_space<vmem>>) dst(%dma_wait3A_171 : memref<96x128xf32, #tpu.memory_space<vmem_shared>>)
      tpu.yield
    }) : () -> ()
    %add3A_54 = arith.constant 576 : i32
    %add3A_55 = arith.addi %mul3A_41, %add3A_54 : i32
    "tpu.region"() ({
      %run_scoped3A = tpu.sem_alloc : memref<!tpu.dma_semaphore, #tpu.memory_space<semaphore_mem>>
      %dma_start3A_155 = arith.constant 192 : i32
      %dma_start3A_156 = arith.constant 0 : i32
      %dma_start3A_157 = tpu.memref_slice %arg10[%dma_start3A_155, %dma_start3A_156] : memref<288x128xf32, #tpu.memory_space<vmem>> -> memref<64x128xf32, #tpu.memory_space<vmem>>
      %dma_start3A_158 = arith.constant 0 : i32
      %dma_start3A_159 = tpu.memref_slice %arg11[%add3A_55, %dma_start3A_158] : memref<10240x128xf32, #tpu.memory_space<vmem_shared>> -> memref<64x128xf32, #tpu.memory_space<vmem_shared>>
      %dma_start3A_160 = arith.constant 0 : i32
      %dma_start3A_161 = tpu.memref_slice %arg11[%add3A_55, %dma_start3A_160] : memref<10240x128xf32, #tpu.memory_space<vmem_shared>> -> memref<64x128xf32, #tpu.memory_space<vmem_shared>>
      %dma_start3A_162 = arith.constant 192 : i32
      %dma_start3A_163 = arith.constant 0 : i32
      %dma_start3A_164 = tpu.memref_slice %arg10[%dma_start3A_162, %dma_start3A_163] : memref<288x128xf32, #tpu.memory_space<vmem>> -> memref<64x128xf32, #tpu.memory_space<vmem>>
      tpu.enqueue_dma source(%dma_start3A_164 : memref<64x128xf32, #tpu.memory_space<vmem>>) target(%dma_start3A_161 : memref<64x128xf32, #tpu.memory_space<vmem_shared>>) target_semaphore(%run_scoped3A : memref<!tpu.dma_semaphore, #tpu.memory_space<semaphore_mem>>)
      %dma_wait3A_165 = arith.constant 192 : i32
      %dma_wait3A_166 = arith.constant 0 : i32
      %dma_wait3A_167 = tpu.memref_slice %arg10[%dma_wait3A_165, %dma_wait3A_166] : memref<288x128xf32, #tpu.memory_space<vmem>> -> memref<64x128xf32, #tpu.memory_space<vmem>>
      %dma_wait3A_168 = arith.constant 0 : i32
      %dma_wait3A_169 = tpu.memref_slice %arg11[%add3A_55, %dma_wait3A_168] : memref<10240x128xf32, #tpu.memory_space<vmem_shared>> -> memref<64x128xf32, #tpu.memory_space<vmem_shared>>
      %dma_wait3A_170 = arith.constant 0 : i32
      %dma_wait3A_171 = tpu.memref_slice %arg11[%add3A_55, %dma_wait3A_170] : memref<10240x128xf32, #tpu.memory_space<vmem_shared>> -> memref<64x128xf32, #tpu.memory_space<vmem_shared>>
      %dma_wait3A_172 = arith.constant 192 : i32
      %dma_wait3A_173 = arith.constant 0 : i32
      %dma_wait3A_174 = tpu.memref_slice %arg10[%dma_wait3A_172, %dma_wait3A_173] : memref<288x128xf32, #tpu.memory_space<vmem>> -> memref<64x128xf32, #tpu.memory_space<vmem>>
      tpu.wait_dma2 semaphore(%run_scoped3A : memref<!tpu.dma_semaphore, #tpu.memory_space<semaphore_mem>>) src(%dma_wait3A_174 : memref<64x128xf32, #tpu.memory_space<vmem>>) dst(%dma_wait3A_171 : memref<64x128xf32, #tpu.memory_space<vmem_shared>>)
      tpu.yield
    }) : () -> ()
    %barrier3A = arith.constant 0 : index
    tpu.barrier barrier_id(%barrier3A)
    %scan3A_56 = arith.constant 0 : i32
    %scan3A_57 = arith.constant 0 : i32
    %scan3A_58 = arith.constant 34 : i32
    %scan3A_59 = arith.addi %scan3A_57, %scan3A_58 : i32
    %scan3A_60 = arith.constant 1 : i32
    %scan3A_61 = scf.for %scan3A_155 = %scan3A_57 to %scan3A_59 step %scan3A_60 iter_args(%scan3A_156 = %scan3A_56) -> (i32)  : i32 {
      %mul3A_157 = arith.constant 3 : i32
      %mul3A_158 = arith.muli %mul3A_157, %scan3A_155 : i32
      %add3A_159 = arith.constant 0 : i32
      %add3A_160 = arith.addi %mul3A_158, %add3A_159 : i32
      %dma_wait3A_161 = arith.constant 0 : i32
      %dma_wait3A_162 = tpu.memref_slice %arg3[%dma_wait3A_161] : memref<640000xi32, #tpu.memory_space<hbm>> -> memref<96xi32, #tpu.memory_space<hbm>>
      %dma_wait3A_163 = arith.constant 0 : i32
      %dma_wait3A_164 = tpu.memref_slice %arg3[%dma_wait3A_163] : memref<640000xi32, #tpu.memory_space<hbm>> -> memref<96xi32, #tpu.memory_space<hbm>>
      tpu.wait_dma2 semaphore(%arg15 : memref<!tpu.dma_semaphore, #tpu.memory_space<semaphore_mem>>) src(%dma_wait3A_164 : memref<96xi32, #tpu.memory_space<hbm>>) dst(%arg6 : memref<96xi32, #tpu.memory_space<vmem>>)
      %dma_wait3A_165 = arith.constant 0 : i32
      %dma_wait3A_166 = arith.constant 0 : i32
      %dma_wait3A_167 = tpu.memref_slice %arg10[%dma_wait3A_165, %dma_wait3A_166] : memref<288x128xf32, #tpu.memory_space<vmem>> -> memref<96x128xf32, #tpu.memory_space<vmem>>
      %dma_wait3A_168 = arith.constant 0 : i32
      %dma_wait3A_169 = tpu.memref_slice %arg5[%dma_wait3A_168] : memref<10000xi32, #tpu.memory_space<vmem>> -> memref<96xi32, #tpu.memory_space<vmem>>
      %dma_wait3A_170 = arith.constant 0 : i32
      %dma_wait3A_171 = arith.constant 0 : i32
      %dma_wait3A_172 = tpu.memref_slice %arg2[%dma_wait3A_170, %dma_wait3A_171] : memref<10240x128xf32, #tpu.memory_space<hbm>> -> memref<10240x128xf32, #tpu.memory_space<hbm>>
      tpu.wait_indirect_dma semaphore(%arg12 : memref<!tpu.dma_semaphore, #tpu.memory_space<semaphore_mem>>) src(%dma_wait3A_172 : memref<10240x128xf32, #tpu.memory_space<hbm>>) dst(%dma_wait3A_167 : memref<96x128xf32, #tpu.memory_space<vmem>>)
      %dma_start3A_173 = arith.constant 0 : i32
      %dma_start3A_174 = arith.constant 0 : i32
      %dma_start3A_175 = tpu.memref_slice %arg10[%dma_start3A_173, %dma_start3A_174] : memref<288x128xf32, #tpu.memory_space<vmem>> -> memref<96x128xf32, #tpu.memory_space<vmem>>
      %dma_start3A_176 = arith.constant 0 : i32
      %dma_start3A_177 = arith.constant 0 : i32
      %dma_start3A_178 = tpu.memref_slice %arg11[%dma_start3A_176, %dma_start3A_177] : memref<10240x128xf32, #tpu.memory_space<vmem_shared>> -> memref<10240x128xf32, #tpu.memory_space<vmem_shared>>
      tpu.enqueue_indirect_dma source(%dma_start3A_175 : memref<96x128xf32, #tpu.memory_space<vmem>>) target(%dma_start3A_178 : memref<10240x128xf32, #tpu.memory_space<vmem_shared>>) offsets(%arg6 : memref<96xi32, #tpu.memory_space<vmem>>) semaphore(%arg18 : memref<!tpu.dma_semaphore, #tpu.memory_space<semaphore_mem>>) {add = true}
      %ge3A = arith.constant 1 : i32
      %ge3A_179 = arith.cmpi sge, %add3A_160, %ge3A : i32
      %convert_element_type3A = arith.extui %ge3A_179 : i1 to i32
      %cond3A = arith.constant 0 : i32
      %cond3A_180 = arith.cmpi ne, %convert_element_type3A, %cond3A : i32
      scf.if %cond3A_180 {
        %dma_wait3A_298 = arith.constant 192 : i32
        %dma_wait3A_299 = arith.constant 0 : i32
        %dma_wait3A_300 = tpu.memref_slice %arg10[%dma_wait3A_298, %dma_wait3A_299] : memref<288x128xf32, #tpu.memory_space<vmem>> -> memref<96x128xf32, #tpu.memory_space<vmem>>
        %dma_wait3A_301 = arith.constant 0 : i32
        %dma_wait3A_302 = arith.constant 0 : i32
        %dma_wait3A_303 = tpu.memref_slice %arg11[%dma_wait3A_301, %dma_wait3A_302] : memref<10240x128xf32, #tpu.memory_space<vmem_shared>> -> memref<10240x128xf32, #tpu.memory_space<vmem_shared>>
        tpu.wait_indirect_dma semaphore(%arg20 : memref<!tpu.dma_semaphore, #tpu.memory_space<semaphore_mem>>) src(%dma_wait3A_300 : memref<96x128xf32, #tpu.memory_space<vmem>>) dst(%dma_wait3A_303 : memref<10240x128xf32, #tpu.memory_space<vmem_shared>>)
      } else {
      }
      %add3A_181 = arith.constant 2 : i32
      %add3A_182 = arith.addi %add3A_160, %add3A_181 : i32
      %mul3A_183 = arith.constant 96 : i32
      %mul3A_184 = arith.muli %add3A_182, %mul3A_183 : i32
      %multiple_of3A_185 = tpu.assume_multiple %mul3A_184, 8 : i32
      %add3A_186 = arith.constant 320000 : i32
      %add3A_187 = arith.addi %add3A_186, %mul3A_2 : i32
      %add3A_188 = arith.addi %add3A_187, %multiple_of3A_185 : i32
      %dma_start3A_189 = tpu.memref_slice %arg3[%add3A_188] : memref<640000xi32, #tpu.memory_space<hbm>> -> memref<96xi32, #tpu.memory_space<hbm>>
      %dma_start3A_190 = tpu.memref_slice %arg3[%add3A_188] : memref<640000xi32, #tpu.memory_space<hbm>> -> memref<96xi32, #tpu.memory_space<hbm>>
      tpu.enqueue_dma source(%dma_start3A_190 : memref<96xi32, #tpu.memory_space<hbm>>) target(%arg8 : memref<96xi32, #tpu.memory_space<vmem>>) target_semaphore(%arg17 : memref<!tpu.dma_semaphore, #tpu.memory_space<semaphore_mem>>)
      %add3A_191 = arith.constant 2 : i32
      %add3A_192 = arith.addi %add3A_160, %add3A_191 : i32
      %mul3A_193 = arith.constant 96 : i32
      %mul3A_194 = arith.muli %add3A_192, %mul3A_193 : i32
      %multiple_of3A_195 = tpu.assume_multiple %mul3A_194, 8 : i32
      %dma_start3A_196 = arith.constant 192 : i32
      %dma_start3A_197 = arith.constant 0 : i32
      %dma_start3A_198 = tpu.memref_slice %arg10[%dma_start3A_196, %dma_start3A_197] : memref<288x128xf32, #tpu.memory_space<vmem>> -> memref<96x128xf32, #tpu.memory_space<vmem>>
      %dma_start3A_199 = tpu.memref_slice %arg5[%multiple_of3A_195] : memref<10000xi32, #tpu.memory_space<vmem>> -> memref<96xi32, #tpu.memory_space<vmem>>
      %dma_start3A_200 = arith.constant 0 : i32
      %dma_start3A_201 = arith.constant 0 : i32
      %dma_start3A_202 = tpu.memref_slice %arg2[%dma_start3A_200, %dma_start3A_201] : memref<10240x128xf32, #tpu.memory_space<hbm>> -> memref<10240x128xf32, #tpu.memory_space<hbm>>
      tpu.enqueue_indirect_dma source(%dma_start3A_202 : memref<10240x128xf32, #tpu.memory_space<hbm>>) target(%dma_start3A_198 : memref<96x128xf32, #tpu.memory_space<vmem>>) offsets(%dma_start3A_199 : memref<96xi32, #tpu.memory_space<vmem>>) semaphore(%arg14 : memref<!tpu.dma_semaphore, #tpu.memory_space<semaphore_mem>>)
      %add3A_203 = arith.constant 1 : i32
      %add3A_204 = arith.addi %mul3A_158, %add3A_203 : i32
      %dma_wait3A_205 = arith.constant 0 : i32
      %dma_wait3A_206 = tpu.memref_slice %arg3[%dma_wait3A_205] : memref<640000xi32, #tpu.memory_space<hbm>> -> memref<96xi32, #tpu.memory_space<hbm>>
      %dma_wait3A_207 = arith.constant 0 : i32
      %dma_wait3A_208 = tpu.memref_slice %arg3[%dma_wait3A_207] : memref<640000xi32, #tpu.memory_space<hbm>> -> memref<96xi32, #tpu.memory_space<hbm>>
      tpu.wait_dma2 semaphore(%arg16 : memref<!tpu.dma_semaphore, #tpu.memory_space<semaphore_mem>>) src(%dma_wait3A_208 : memref<96xi32, #tpu.memory_space<hbm>>) dst(%arg7 : memref<96xi32, #tpu.memory_space<vmem>>)
      %dma_wait3A_209 = arith.constant 96 : i32
      %dma_wait3A_210 = arith.constant 0 : i32
      %dma_wait3A_211 = tpu.memref_slice %arg10[%dma_wait3A_209, %dma_wait3A_210] : memref<288x128xf32, #tpu.memory_space<vmem>> -> memref<96x128xf32, #tpu.memory_space<vmem>>
      %dma_wait3A_212 = arith.constant 0 : i32
      %dma_wait3A_213 = tpu.memref_slice %arg5[%dma_wait3A_212] : memref<10000xi32, #tpu.memory_space<vmem>> -> memref<96xi32, #tpu.memory_space<vmem>>
      %dma_wait3A_214 = arith.constant 0 : i32
      %dma_wait3A_215 = arith.constant 0 : i32
      %dma_wait3A_216 = tpu.memref_slice %arg2[%dma_wait3A_214, %dma_wait3A_215] : memref<10240x128xf32, #tpu.memory_space<hbm>> -> memref<10240x128xf32, #tpu.memory_space<hbm>>
      tpu.wait_indirect_dma semaphore(%arg13 : memref<!tpu.dma_semaphore, #tpu.memory_space<semaphore_mem>>) src(%dma_wait3A_216 : memref<10240x128xf32, #tpu.memory_space<hbm>>) dst(%dma_wait3A_211 : memref<96x128xf32, #tpu.memory_space<vmem>>)
      %dma_start3A_217 = arith.constant 96 : i32
      %dma_start3A_218 = arith.constant 0 : i32
      %dma_start3A_219 = tpu.memref_slice %arg10[%dma_start3A_217, %dma_start3A_218] : memref<288x128xf32, #tpu.memory_space<vmem>> -> memref<96x128xf32, #tpu.memory_space<vmem>>
      %dma_start3A_220 = arith.constant 0 : i32
      %dma_start3A_221 = arith.constant 0 : i32
      %dma_start3A_222 = tpu.memref_slice %arg11[%dma_start3A_220, %dma_start3A_221] : memref<10240x128xf32, #tpu.memory_space<vmem_shared>> -> memref<10240x128xf32, #tpu.memory_space<vmem_shared>>
      tpu.enqueue_indirect_dma source(%dma_start3A_219 : memref<96x128xf32, #tpu.memory_space<vmem>>) target(%dma_start3A_222 : memref<10240x128xf32, #tpu.memory_space<vmem_shared>>) offsets(%arg7 : memref<96xi32, #tpu.memory_space<vmem>>) semaphore(%arg19 : memref<!tpu.dma_semaphore, #tpu.memory_space<semaphore_mem>>) {add = true}
      %ge3A_223 = arith.constant 1 : i32
      %ge3A_224 = arith.cmpi sge, %add3A_204, %ge3A_223 : i32
      %convert_element_type3A_225 = arith.extui %ge3A_224 : i1 to i32
      %cond3A_226 = arith.constant 0 : i32
      %cond3A_227 = arith.cmpi ne, %convert_element_type3A_225, %cond3A_226 : i32
      scf.if %cond3A_227 {
        %dma_wait3A_298 = arith.constant 0 : i32
        %dma_wait3A_299 = arith.constant 0 : i32
        %dma_wait3A_300 = tpu.memref_slice %arg10[%dma_wait3A_298, %dma_wait3A_299] : memref<288x128xf32, #tpu.memory_space<vmem>> -> memref<96x128xf32, #tpu.memory_space<vmem>>
        %dma_wait3A_301 = arith.constant 0 : i32
        %dma_wait3A_302 = arith.constant 0 : i32
        %dma_wait3A_303 = tpu.memref_slice %arg11[%dma_wait3A_301, %dma_wait3A_302] : memref<10240x128xf32, #tpu.memory_space<vmem_shared>> -> memref<10240x128xf32, #tpu.memory_space<vmem_shared>>
        tpu.wait_indirect_dma semaphore(%arg18 : memref<!tpu.dma_semaphore, #tpu.memory_space<semaphore_mem>>) src(%dma_wait3A_300 : memref<96x128xf32, #tpu.memory_space<vmem>>) dst(%dma_wait3A_303 : memref<10240x128xf32, #tpu.memory_space<vmem_shared>>)
      } else {
      }
      %add3A_228 = arith.constant 2 : i32
      %add3A_229 = arith.addi %add3A_204, %add3A_228 : i32
      %mul3A_230 = arith.constant 96 : i32
      %mul3A_231 = arith.muli %add3A_229, %mul3A_230 : i32
      %multiple_of3A_232 = tpu.assume_multiple %mul3A_231, 8 : i32
      %add3A_233 = arith.constant 320000 : i32
      %add3A_234 = arith.addi %add3A_233, %mul3A_2 : i32
      %add3A_235 = arith.addi %add3A_234, %multiple_of3A_232 : i32
      %dma_start3A_236 = tpu.memref_slice %arg3[%add3A_235] : memref<640000xi32, #tpu.memory_space<hbm>> -> memref<96xi32, #tpu.memory_space<hbm>>
      %dma_start3A_237 = tpu.memref_slice %arg3[%add3A_235] : memref<640000xi32, #tpu.memory_space<hbm>> -> memref<96xi32, #tpu.memory_space<hbm>>
      tpu.enqueue_dma source(%dma_start3A_237 : memref<96xi32, #tpu.memory_space<hbm>>) target(%arg6 : memref<96xi32, #tpu.memory_space<vmem>>) target_semaphore(%arg15 : memref<!tpu.dma_semaphore, #tpu.memory_space<semaphore_mem>>)
      %add3A_238 = arith.constant 2 : i32
      %add3A_239 = arith.addi %add3A_204, %add3A_238 : i32
      %mul3A_240 = arith.constant 96 : i32
      %mul3A_241 = arith.muli %add3A_239, %mul3A_240 : i32
      %multiple_of3A_242 = tpu.assume_multiple %mul3A_241, 8 : i32
      %dma_start3A_243 = arith.constant 0 : i32
      %dma_start3A_244 = arith.constant 0 : i32
      %dma_start3A_245 = tpu.memref_slice %arg10[%dma_start3A_243, %dma_start3A_244] : memref<288x128xf32, #tpu.memory_space<vmem>> -> memref<96x128xf32, #tpu.memory_space<vmem>>
      %dma_start3A_246 = tpu.memref_slice %arg5[%multiple_of3A_242] : memref<10000xi32, #tpu.memory_space<vmem>> -> memref<96xi32, #tpu.memory_space<vmem>>
      %dma_start3A_247 = arith.constant 0 : i32
      %dma_start3A_248 = arith.constant 0 : i32
      %dma_start3A_249 = tpu.memref_slice %arg2[%dma_start3A_247, %dma_start3A_248] : memref<10240x128xf32, #tpu.memory_space<hbm>> -> memref<10240x128xf32, #tpu.memory_space<hbm>>
      tpu.enqueue_indirect_dma source(%dma_start3A_249 : memref<10240x128xf32, #tpu.memory_space<hbm>>) target(%dma_start3A_245 : memref<96x128xf32, #tpu.memory_space<vmem>>) offsets(%dma_start3A_246 : memref<96xi32, #tpu.memory_space<vmem>>) semaphore(%arg12 : memref<!tpu.dma_semaphore, #tpu.memory_space<semaphore_mem>>)
      %add3A_250 = arith.constant 2 : i32
      %add3A_251 = arith.addi %mul3A_158, %add3A_250 : i32
      %dma_wait3A_252 = arith.constant 0 : i32
      %dma_wait3A_253 = tpu.memref_slice %arg3[%dma_wait3A_252] : memref<640000xi32, #tpu.memory_space<hbm>> -> memref<96xi32, #tpu.memory_space<hbm>>
      %dma_wait3A_254 = arith.constant 0 : i32
      %dma_wait3A_255 = tpu.memref_slice %arg3[%dma_wait3A_254] : memref<640000xi32, #tpu.memory_space<hbm>> -> memref<96xi32, #tpu.memory_space<hbm>>
      tpu.wait_dma2 semaphore(%arg17 : memref<!tpu.dma_semaphore, #tpu.memory_space<semaphore_mem>>) src(%dma_wait3A_255 : memref<96xi32, #tpu.memory_space<hbm>>) dst(%arg8 : memref<96xi32, #tpu.memory_space<vmem>>)
      %dma_wait3A_256 = arith.constant 192 : i32
      %dma_wait3A_257 = arith.constant 0 : i32
      %dma_wait3A_258 = tpu.memref_slice %arg10[%dma_wait3A_256, %dma_wait3A_257] : memref<288x128xf32, #tpu.memory_space<vmem>> -> memref<96x128xf32, #tpu.memory_space<vmem>>
      %dma_wait3A_259 = arith.constant 0 : i32
      %dma_wait3A_260 = tpu.memref_slice %arg5[%dma_wait3A_259] : memref<10000xi32, #tpu.memory_space<vmem>> -> memref<96xi32, #tpu.memory_space<vmem>>
      %dma_wait3A_261 = arith.constant 0 : i32
      %dma_wait3A_262 = arith.constant 0 : i32
      %dma_wait3A_263 = tpu.memref_slice %arg2[%dma_wait3A_261, %dma_wait3A_262] : memref<10240x128xf32, #tpu.memory_space<hbm>> -> memref<10240x128xf32, #tpu.memory_space<hbm>>
      tpu.wait_indirect_dma semaphore(%arg14 : memref<!tpu.dma_semaphore, #tpu.memory_space<semaphore_mem>>) src(%dma_wait3A_263 : memref<10240x128xf32, #tpu.memory_space<hbm>>) dst(%dma_wait3A_258 : memref<96x128xf32, #tpu.memory_space<vmem>>)
      %dma_start3A_264 = arith.constant 192 : i32
      %dma_start3A_265 = arith.constant 0 : i32
      %dma_start3A_266 = tpu.memref_slice %arg10[%dma_start3A_264, %dma_start3A_265] : memref<288x128xf32, #tpu.memory_space<vmem>> -> memref<96x128xf32, #tpu.memory_space<vmem>>
      %dma_start3A_267 = arith.constant 0 : i32
      %dma_start3A_268 = arith.constant 0 : i32
      %dma_start3A_269 = tpu.memref_slice %arg11[%dma_start3A_267, %dma_start3A_268] : memref<10240x128xf32, #tpu.memory_space<vmem_shared>> -> memref<10240x128xf32, #tpu.memory_space<vmem_shared>>
      tpu.enqueue_indirect_dma source(%dma_start3A_266 : memref<96x128xf32, #tpu.memory_space<vmem>>) target(%dma_start3A_269 : memref<10240x128xf32, #tpu.memory_space<vmem_shared>>) offsets(%arg8 : memref<96xi32, #tpu.memory_space<vmem>>) semaphore(%arg20 : memref<!tpu.dma_semaphore, #tpu.memory_space<semaphore_mem>>) {add = true}
      %ge3A_270 = arith.constant 1 : i32
      %ge3A_271 = arith.cmpi sge, %add3A_251, %ge3A_270 : i32
      %convert_element_type3A_272 = arith.extui %ge3A_271 : i1 to i32
      %cond3A_273 = arith.constant 0 : i32
      %cond3A_274 = arith.cmpi ne, %convert_element_type3A_272, %cond3A_273 : i32
      scf.if %cond3A_274 {
        %dma_wait3A_298 = arith.constant 96 : i32
        %dma_wait3A_299 = arith.constant 0 : i32
        %dma_wait3A_300 = tpu.memref_slice %arg10[%dma_wait3A_298, %dma_wait3A_299] : memref<288x128xf32, #tpu.memory_space<vmem>> -> memref<96x128xf32, #tpu.memory_space<vmem>>
        %dma_wait3A_301 = arith.constant 0 : i32
        %dma_wait3A_302 = arith.constant 0 : i32
        %dma_wait3A_303 = tpu.memref_slice %arg11[%dma_wait3A_301, %dma_wait3A_302] : memref<10240x128xf32, #tpu.memory_space<vmem_shared>> -> memref<10240x128xf32, #tpu.memory_space<vmem_shared>>
        tpu.wait_indirect_dma semaphore(%arg19 : memref<!tpu.dma_semaphore, #tpu.memory_space<semaphore_mem>>) src(%dma_wait3A_300 : memref<96x128xf32, #tpu.memory_space<vmem>>) dst(%dma_wait3A_303 : memref<10240x128xf32, #tpu.memory_space<vmem_shared>>)
      } else {
      }
      %add3A_275 = arith.constant 2 : i32
      %add3A_276 = arith.addi %add3A_251, %add3A_275 : i32
      %mul3A_277 = arith.constant 96 : i32
      %mul3A_278 = arith.muli %add3A_276, %mul3A_277 : i32
      %multiple_of3A_279 = tpu.assume_multiple %mul3A_278, 8 : i32
      %add3A_280 = arith.constant 320000 : i32
      %add3A_281 = arith.addi %add3A_280, %mul3A_2 : i32
      %add3A_282 = arith.addi %add3A_281, %multiple_of3A_279 : i32
      %dma_start3A_283 = tpu.memref_slice %arg3[%add3A_282] : memref<640000xi32, #tpu.memory_space<hbm>> -> memref<96xi32, #tpu.memory_space<hbm>>
      %dma_start3A_284 = tpu.memref_slice %arg3[%add3A_282] : memref<640000xi32, #tpu.memory_space<hbm>> -> memref<96xi32, #tpu.memory_space<hbm>>
      tpu.enqueue_dma source(%dma_start3A_284 : memref<96xi32, #tpu.memory_space<hbm>>) target(%arg7 : memref<96xi32, #tpu.memory_space<vmem>>) target_semaphore(%arg16 : memref<!tpu.dma_semaphore, #tpu.memory_space<semaphore_mem>>)
      %add3A_285 = arith.constant 2 : i32
      %add3A_286 = arith.addi %add3A_251, %add3A_285 : i32
      %mul3A_287 = arith.constant 96 : i32
      %mul3A_288 = arith.muli %add3A_286, %mul3A_287 : i32
      %multiple_of3A_289 = tpu.assume_multiple %mul3A_288, 8 : i32
      %dma_start3A_290 = arith.constant 96 : i32
      %dma_start3A_291 = arith.constant 0 : i32
      %dma_start3A_292 = tpu.memref_slice %arg10[%dma_start3A_290, %dma_start3A_291] : memref<288x128xf32, #tpu.memory_space<vmem>> -> memref<96x128xf32, #tpu.memory_space<vmem>>
      %dma_start3A_293 = tpu.memref_slice %arg5[%multiple_of3A_289] : memref<10000xi32, #tpu.memory_space<vmem>> -> memref<96xi32, #tpu.memory_space<vmem>>
      %dma_start3A_294 = arith.constant 0 : i32
      %dma_start3A_295 = arith.constant 0 : i32
      %dma_start3A_296 = tpu.memref_slice %arg2[%dma_start3A_294, %dma_start3A_295] : memref<10240x128xf32, #tpu.memory_space<hbm>> -> memref<10240x128xf32, #tpu.memory_space<hbm>>
      tpu.enqueue_indirect_dma source(%dma_start3A_296 : memref<10240x128xf32, #tpu.memory_space<hbm>>) target(%dma_start3A_292 : memref<96x128xf32, #tpu.memory_space<vmem>>) offsets(%dma_start3A_293 : memref<96xi32, #tpu.memory_space<vmem>>) semaphore(%arg13 : memref<!tpu.dma_semaphore, #tpu.memory_space<semaphore_mem>>)
      %scan3A_297 = arith.constant 0 : i32
      scf.yield %scan3A_297 : i32
    }
    %scan3A_62 = arith.constant 34 : i32
    %dma_wait3A = arith.constant 0 : i32
    %dma_wait3A_63 = tpu.memref_slice %arg3[%dma_wait3A] : memref<640000xi32, #tpu.memory_space<hbm>> -> memref<96xi32, #tpu.memory_space<hbm>>
    %dma_wait3A_64 = arith.constant 0 : i32
    %dma_wait3A_65 = tpu.memref_slice %arg3[%dma_wait3A_64] : memref<640000xi32, #tpu.memory_space<hbm>> -> memref<96xi32, #tpu.memory_space<hbm>>
    tpu.wait_dma2 semaphore(%arg15 : memref<!tpu.dma_semaphore, #tpu.memory_space<semaphore_mem>>) src(%dma_wait3A_65 : memref<96xi32, #tpu.memory_space<hbm>>) dst(%arg6 : memref<96xi32, #tpu.memory_space<vmem>>)
    %dma_wait3A_66 = arith.constant 0 : i32
    %dma_wait3A_67 = arith.constant 0 : i32
    %dma_wait3A_68 = tpu.memref_slice %arg10[%dma_wait3A_66, %dma_wait3A_67] : memref<288x128xf32, #tpu.memory_space<vmem>> -> memref<96x128xf32, #tpu.memory_space<vmem>>
    %dma_wait3A_69 = arith.constant 0 : i32
    %dma_wait3A_70 = tpu.memref_slice %arg5[%dma_wait3A_69] : memref<10000xi32, #tpu.memory_space<vmem>> -> memref<96xi32, #tpu.memory_space<vmem>>
    %dma_wait3A_71 = arith.constant 0 : i32
    %dma_wait3A_72 = arith.constant 0 : i32
    %dma_wait3A_73 = tpu.memref_slice %arg2[%dma_wait3A_71, %dma_wait3A_72] : memref<10240x128xf32, #tpu.memory_space<hbm>> -> memref<10240x128xf32, #tpu.memory_space<hbm>>
    tpu.wait_indirect_dma semaphore(%arg12 : memref<!tpu.dma_semaphore, #tpu.memory_space<semaphore_mem>>) src(%dma_wait3A_73 : memref<10240x128xf32, #tpu.memory_space<hbm>>) dst(%dma_wait3A_68 : memref<96x128xf32, #tpu.memory_space<vmem>>)
    %dma_start3A_74 = arith.constant 0 : i32
    %dma_start3A_75 = arith.constant 0 : i32
    %dma_start3A_76 = tpu.memref_slice %arg10[%dma_start3A_74, %dma_start3A_75] : memref<288x128xf32, #tpu.memory_space<vmem>> -> memref<96x128xf32, #tpu.memory_space<vmem>>
    %dma_start3A_77 = arith.constant 0 : i32
    %dma_start3A_78 = arith.constant 0 : i32
    %dma_start3A_79 = tpu.memref_slice %arg11[%dma_start3A_77, %dma_start3A_78] : memref<10240x128xf32, #tpu.memory_space<vmem_shared>> -> memref<10240x128xf32, #tpu.memory_space<vmem_shared>>
    tpu.enqueue_indirect_dma source(%dma_start3A_76 : memref<96x128xf32, #tpu.memory_space<vmem>>) target(%dma_start3A_79 : memref<10240x128xf32, #tpu.memory_space<vmem_shared>>) offsets(%arg6 : memref<96xi32, #tpu.memory_space<vmem>>) semaphore(%arg18 : memref<!tpu.dma_semaphore, #tpu.memory_space<semaphore_mem>>) {add = true}
    %dma_wait3A_80 = arith.constant 192 : i32
    %dma_wait3A_81 = arith.constant 0 : i32
    %dma_wait3A_82 = tpu.memref_slice %arg10[%dma_wait3A_80, %dma_wait3A_81] : memref<288x128xf32, #tpu.memory_space<vmem>> -> memref<96x128xf32, #tpu.memory_space<vmem>>
    %dma_wait3A_83 = arith.constant 0 : i32
    %dma_wait3A_84 = arith.constant 0 : i32
    %dma_wait3A_85 = tpu.memref_slice %arg11[%dma_wait3A_83, %dma_wait3A_84] : memref<10240x128xf32, #tpu.memory_space<vmem_shared>> -> memref<10240x128xf32, #tpu.memory_space<vmem_shared>>
    tpu.wait_indirect_dma semaphore(%arg20 : memref<!tpu.dma_semaphore, #tpu.memory_space<semaphore_mem>>) src(%dma_wait3A_82 : memref<96x128xf32, #tpu.memory_space<vmem>>) dst(%dma_wait3A_85 : memref<10240x128xf32, #tpu.memory_space<vmem_shared>>)
    %dma_wait3A_86 = arith.constant 0 : i32
    %dma_wait3A_87 = tpu.memref_slice %arg3[%dma_wait3A_86] : memref<640000xi32, #tpu.memory_space<hbm>> -> memref<96xi32, #tpu.memory_space<hbm>>
    %dma_wait3A_88 = arith.constant 0 : i32
    %dma_wait3A_89 = tpu.memref_slice %arg3[%dma_wait3A_88] : memref<640000xi32, #tpu.memory_space<hbm>> -> memref<96xi32, #tpu.memory_space<hbm>>
    tpu.wait_dma2 semaphore(%arg16 : memref<!tpu.dma_semaphore, #tpu.memory_space<semaphore_mem>>) src(%dma_wait3A_89 : memref<96xi32, #tpu.memory_space<hbm>>) dst(%arg7 : memref<96xi32, #tpu.memory_space<vmem>>)
    %dma_wait3A_90 = arith.constant 96 : i32
    %dma_wait3A_91 = arith.constant 0 : i32
    %dma_wait3A_92 = tpu.memref_slice %arg10[%dma_wait3A_90, %dma_wait3A_91] : memref<288x128xf32, #tpu.memory_space<vmem>> -> memref<96x128xf32, #tpu.memory_space<vmem>>
    %dma_wait3A_93 = arith.constant 0 : i32
    %dma_wait3A_94 = tpu.memref_slice %arg5[%dma_wait3A_93] : memref<10000xi32, #tpu.memory_space<vmem>> -> memref<96xi32, #tpu.memory_space<vmem>>
    %dma_wait3A_95 = arith.constant 0 : i32
    %dma_wait3A_96 = arith.constant 0 : i32
    %dma_wait3A_97 = tpu.memref_slice %arg2[%dma_wait3A_95, %dma_wait3A_96] : memref<10240x128xf32, #tpu.memory_space<hbm>> -> memref<10240x128xf32, #tpu.memory_space<hbm>>
    tpu.wait_indirect_dma semaphore(%arg13 : memref<!tpu.dma_semaphore, #tpu.memory_space<semaphore_mem>>) src(%dma_wait3A_97 : memref<10240x128xf32, #tpu.memory_space<hbm>>) dst(%dma_wait3A_92 : memref<96x128xf32, #tpu.memory_space<vmem>>)
    %dma_start3A_98 = arith.constant 96 : i32
    %dma_start3A_99 = arith.constant 0 : i32
    %dma_start3A_100 = tpu.memref_slice %arg10[%dma_start3A_98, %dma_start3A_99] : memref<288x128xf32, #tpu.memory_space<vmem>> -> memref<96x128xf32, #tpu.memory_space<vmem>>
    %dma_start3A_101 = arith.constant 0 : i32
    %dma_start3A_102 = arith.constant 0 : i32
    %dma_start3A_103 = tpu.memref_slice %arg11[%dma_start3A_101, %dma_start3A_102] : memref<10240x128xf32, #tpu.memory_space<vmem_shared>> -> memref<10240x128xf32, #tpu.memory_space<vmem_shared>>
    tpu.enqueue_indirect_dma source(%dma_start3A_100 : memref<96x128xf32, #tpu.memory_space<vmem>>) target(%dma_start3A_103 : memref<10240x128xf32, #tpu.memory_space<vmem_shared>>) offsets(%arg7 : memref<96xi32, #tpu.memory_space<vmem>>) semaphore(%arg19 : memref<!tpu.dma_semaphore, #tpu.memory_space<semaphore_mem>>) {add = true}
    %dma_wait3A_104 = arith.constant 0 : i32
    %dma_wait3A_105 = arith.constant 0 : i32
    %dma_wait3A_106 = tpu.memref_slice %arg10[%dma_wait3A_104, %dma_wait3A_105] : memref<288x128xf32, #tpu.memory_space<vmem>> -> memref<96x128xf32, #tpu.memory_space<vmem>>
    %dma_wait3A_107 = arith.constant 0 : i32
    %dma_wait3A_108 = arith.constant 0 : i32
    %dma_wait3A_109 = tpu.memref_slice %arg11[%dma_wait3A_107, %dma_wait3A_108] : memref<10240x128xf32, #tpu.memory_space<vmem_shared>> -> memref<10240x128xf32, #tpu.memory_space<vmem_shared>>
    tpu.wait_indirect_dma semaphore(%arg18 : memref<!tpu.dma_semaphore, #tpu.memory_space<semaphore_mem>>) src(%dma_wait3A_106 : memref<96x128xf32, #tpu.memory_space<vmem>>) dst(%dma_wait3A_109 : memref<10240x128xf32, #tpu.memory_space<vmem_shared>>)
    %dma_wait3A_110 = arith.constant 96 : i32
    %dma_wait3A_111 = arith.constant 0 : i32
    %dma_wait3A_112 = tpu.memref_slice %arg10[%dma_wait3A_110, %dma_wait3A_111] : memref<288x128xf32, #tpu.memory_space<vmem>> -> memref<96x128xf32, #tpu.memory_space<vmem>>
    %dma_wait3A_113 = arith.constant 0 : i32
    %dma_wait3A_114 = arith.constant 0 : i32
    %dma_wait3A_115 = tpu.memref_slice %arg11[%dma_wait3A_113, %dma_wait3A_114] : memref<10240x128xf32, #tpu.memory_space<vmem_shared>> -> memref<10240x128xf32, #tpu.memory_space<vmem_shared>>
    tpu.wait_indirect_dma semaphore(%arg19 : memref<!tpu.dma_semaphore, #tpu.memory_space<semaphore_mem>>) src(%dma_wait3A_112 : memref<96x128xf32, #tpu.memory_space<vmem>>) dst(%dma_wait3A_115 : memref<10240x128xf32, #tpu.memory_space<vmem_shared>>)
    %multiple_of3A_116 = arith.constant 9984 : i32
    %multiple_of3A_117 = tpu.assume_multiple %multiple_of3A_116, 8 : i32
    %add3A_118 = arith.constant 320000 : i32
    %add3A_119 = arith.addi %add3A_118, %mul3A_2 : i32
    %add3A_120 = arith.addi %add3A_119, %multiple_of3A_117 : i32
    %dma_start3A_121 = tpu.memref_slice %arg3[%add3A_120] : memref<640000xi32, #tpu.memory_space<hbm>> -> memref<16xi32, #tpu.memory_space<hbm>>
    %dma_start3A_122 = tpu.memref_slice %arg3[%add3A_120] : memref<640000xi32, #tpu.memory_space<hbm>> -> memref<16xi32, #tpu.memory_space<hbm>>
    tpu.enqueue_dma source(%dma_start3A_122 : memref<16xi32, #tpu.memory_space<hbm>>) target(%arg9 : memref<16xi32, #tpu.memory_space<vmem>>) target_semaphore(%arg15 : memref<!tpu.dma_semaphore, #tpu.memory_space<semaphore_mem>>)
    %dma_start3A_123 = arith.constant 0 : i32
    %dma_start3A_124 = arith.constant 0 : i32
    %dma_start3A_125 = tpu.memref_slice %arg10[%dma_start3A_123, %dma_start3A_124] : memref<288x128xf32, #tpu.memory_space<vmem>> -> memref<16x128xf32, #tpu.memory_space<vmem>>
    %dma_start3A_126 = tpu.memref_slice %arg5[%multiple_of3A_117] : memref<10000xi32, #tpu.memory_space<vmem>> -> memref<16xi32, #tpu.memory_space<vmem>>
    %dma_start3A_127 = arith.constant 0 : i32
    %dma_start3A_128 = arith.constant 0 : i32
    %dma_start3A_129 = tpu.memref_slice %arg2[%dma_start3A_127, %dma_start3A_128] : memref<10240x128xf32, #tpu.memory_space<hbm>> -> memref<10240x128xf32, #tpu.memory_space<hbm>>
    tpu.enqueue_indirect_dma source(%dma_start3A_129 : memref<10240x128xf32, #tpu.memory_space<hbm>>) target(%dma_start3A_125 : memref<16x128xf32, #tpu.memory_space<vmem>>) offsets(%dma_start3A_126 : memref<16xi32, #tpu.memory_space<vmem>>) semaphore(%arg12 : memref<!tpu.dma_semaphore, #tpu.memory_space<semaphore_mem>>)
    %dma_wait3A_130 = arith.constant 0 : i32
    %dma_wait3A_131 = tpu.memref_slice %arg3[%dma_wait3A_130] : memref<640000xi32, #tpu.memory_space<hbm>> -> memref<16xi32, #tpu.memory_space<hbm>>
    %dma_wait3A_132 = arith.constant 0 : i32
    %dma_wait3A_133 = tpu.memref_slice %arg3[%dma_wait3A_132] : memref<640000xi32, #tpu.memory_space<hbm>> -> memref<16xi32, #tpu.memory_space<hbm>>
    tpu.wait_dma2 semaphore(%arg15 : memref<!tpu.dma_semaphore, #tpu.memory_space<semaphore_mem>>) src(%dma_wait3A_133 : memref<16xi32, #tpu.memory_space<hbm>>) dst(%arg9 : memref<16xi32, #tpu.memory_space<vmem>>)
    %dma_wait3A_134 = arith.constant 0 : i32
    %dma_wait3A_135 = arith.constant 0 : i32
    %dma_wait3A_136 = tpu.memref_slice %arg10[%dma_wait3A_134, %dma_wait3A_135] : memref<288x128xf32, #tpu.memory_space<vmem>> -> memref<16x128xf32, #tpu.memory_space<vmem>>
    %dma_wait3A_137 = arith.constant 0 : i32
    %dma_wait3A_138 = tpu.memref_slice %arg5[%dma_wait3A_137] : memref<10000xi32, #tpu.memory_space<vmem>> -> memref<16xi32, #tpu.memory_space<vmem>>
    %dma_wait3A_139 = arith.constant 0 : i32
    %dma_wait3A_140 = arith.constant 0 : i32
    %dma_wait3A_141 = tpu.memref_slice %arg2[%dma_wait3A_139, %dma_wait3A_140] : memref<10240x128xf32, #tpu.memory_space<hbm>> -> memref<10240x128xf32, #tpu.memory_space<hbm>>
    tpu.wait_indirect_dma semaphore(%arg12 : memref<!tpu.dma_semaphore, #tpu.memory_space<semaphore_mem>>) src(%dma_wait3A_141 : memref<10240x128xf32, #tpu.memory_space<hbm>>) dst(%dma_wait3A_136 : memref<16x128xf32, #tpu.memory_space<vmem>>)
    "tpu.region"() ({
      %run_scoped3A = tpu.sem_alloc : memref<!tpu.dma_semaphore, #tpu.memory_space<semaphore_mem>>
      %dma_start3A_155 = arith.constant 0 : i32
      %dma_start3A_156 = arith.constant 0 : i32
      %dma_start3A_157 = tpu.memref_slice %arg10[%dma_start3A_155, %dma_start3A_156] : memref<288x128xf32, #tpu.memory_space<vmem>> -> memref<16x128xf32, #tpu.memory_space<vmem>>
      %dma_start3A_158 = arith.constant 0 : i32
      %dma_start3A_159 = arith.constant 0 : i32
      %dma_start3A_160 = tpu.memref_slice %arg11[%dma_start3A_158, %dma_start3A_159] : memref<10240x128xf32, #tpu.memory_space<vmem_shared>> -> memref<10240x128xf32, #tpu.memory_space<vmem_shared>>
      tpu.enqueue_indirect_dma source(%dma_start3A_157 : memref<16x128xf32, #tpu.memory_space<vmem>>) target(%dma_start3A_160 : memref<10240x128xf32, #tpu.memory_space<vmem_shared>>) offsets(%arg9 : memref<16xi32, #tpu.memory_space<vmem>>) semaphore(%run_scoped3A : memref<!tpu.dma_semaphore, #tpu.memory_space<semaphore_mem>>) {add = true}
      %dma_wait3A_161 = arith.constant 0 : i32
      %dma_wait3A_162 = arith.constant 0 : i32
      %dma_wait3A_163 = tpu.memref_slice %arg10[%dma_wait3A_161, %dma_wait3A_162] : memref<288x128xf32, #tpu.memory_space<vmem>> -> memref<16x128xf32, #tpu.memory_space<vmem>>
      %dma_wait3A_164 = arith.constant 0 : i32
      %dma_wait3A_165 = arith.constant 0 : i32
      %dma_wait3A_166 = tpu.memref_slice %arg11[%dma_wait3A_164, %dma_wait3A_165] : memref<10240x128xf32, #tpu.memory_space<vmem_shared>> -> memref<10240x128xf32, #tpu.memory_space<vmem_shared>>
      tpu.wait_indirect_dma semaphore(%run_scoped3A : memref<!tpu.dma_semaphore, #tpu.memory_space<semaphore_mem>>) src(%dma_wait3A_163 : memref<16x128xf32, #tpu.memory_space<vmem>>) dst(%dma_wait3A_166 : memref<10240x128xf32, #tpu.memory_space<vmem_shared>>)
      tpu.yield
    }) : () -> ()
    %barrier3A_142 = arith.constant 0 : index
    tpu.barrier barrier_id(%barrier3A_142)
    %add3A_143 = arith.constant 0 : i32
    %add3A_144 = arith.addi %mul3A_41, %add3A_143 : i32
    %add3A_145 = arith.constant 0 : i32
    %add3A_146 = arith.addi %mul3A_41, %add3A_145 : i32
    "tpu.region"() ({
      %run_scoped3A = tpu.sem_alloc : memref<!tpu.dma_semaphore, #tpu.memory_space<semaphore_mem>>
      %dma_start3A_155 = arith.constant 0 : i32
      %dma_start3A_156 = tpu.memref_slice %arg4[%arg0, %add3A_146, %dma_start3A_155] : memref<2x10240x128xf32, #tpu.memory_space<hbm>> -> memref<1x288x128xf32, #tpu.memory_space<hbm>>
      %dma_start3A_157 = tpu.memref_squeeze %dma_start3A_156 : memref<1x288x128xf32, #tpu.memory_space<hbm>> -> memref<288x128xf32, #tpu.memory_space<hbm>>
      %dma_start3A_158 = arith.constant 0 : i32
      %dma_start3A_159 = tpu.memref_slice %arg11[%add3A_144, %dma_start3A_158] : memref<10240x128xf32, #tpu.memory_space<vmem_shared>> -> memref<288x128xf32, #tpu.memory_space<vmem_shared>>
      tpu.enqueue_dma source(%dma_start3A_159 : memref<288x128xf32, #tpu.memory_space<vmem_shared>>) target(%dma_start3A_157 : memref<288x128xf32, #tpu.memory_space<hbm>>) target_semaphore(%run_scoped3A : memref<!tpu.dma_semaphore, #tpu.memory_space<semaphore_mem>>)
      %dma_wait3A_160 = arith.constant 0 : i32
      %dma_wait3A_161 = tpu.memref_slice %arg4[%arg0, %add3A_146, %dma_wait3A_160] : memref<2x10240x128xf32, #tpu.memory_space<hbm>> -> memref<1x288x128xf32, #tpu.memory_space<hbm>>
      %dma_wait3A_162 = tpu.memref_squeeze %dma_wait3A_161 : memref<1x288x128xf32, #tpu.memory_space<hbm>> -> memref<288x128xf32, #tpu.memory_space<hbm>>
      %dma_wait3A_163 = arith.constant 0 : i32
      %dma_wait3A_164 = tpu.memref_slice %arg11[%add3A_144, %dma_wait3A_163] : memref<10240x128xf32, #tpu.memory_space<vmem_shared>> -> memref<288x128xf32, #tpu.memory_space<vmem_shared>>
      tpu.wait_dma2 semaphore(%run_scoped3A : memref<!tpu.dma_semaphore, #tpu.memory_space<semaphore_mem>>) src(%dma_wait3A_164 : memref<288x128xf32, #tpu.memory_space<vmem_shared>>) dst(%dma_wait3A_162 : memref<288x128xf32, #tpu.memory_space<hbm>>)
      tpu.yield
    }) : () -> ()
    %add3A_147 = arith.constant 288 : i32
    %add3A_148 = arith.addi %mul3A_41, %add3A_147 : i32
    %add3A_149 = arith.constant 288 : i32
    %add3A_150 = arith.addi %mul3A_41, %add3A_149 : i32
    "tpu.region"() ({
      %run_scoped3A = tpu.sem_alloc : memref<!tpu.dma_semaphore, #tpu.memory_space<semaphore_mem>>
      %dma_start3A_155 = arith.constant 0 : i32
      %dma_start3A_156 = tpu.memref_slice %arg4[%arg0, %add3A_150, %dma_start3A_155] : memref<2x10240x128xf32, #tpu.memory_space<hbm>> -> memref<1x288x128xf32, #tpu.memory_space<hbm>>
      %dma_start3A_157 = tpu.memref_squeeze %dma_start3A_156 : memref<1x288x128xf32, #tpu.memory_space<hbm>> -> memref<288x128xf32, #tpu.memory_space<hbm>>
      %dma_start3A_158 = arith.constant 0 : i32
      %dma_start3A_159 = tpu.memref_slice %arg11[%add3A_148, %dma_start3A_158] : memref<10240x128xf32, #tpu.memory_space<vmem_shared>> -> memref<288x128xf32, #tpu.memory_space<vmem_shared>>
      tpu.enqueue_dma source(%dma_start3A_159 : memref<288x128xf32, #tpu.memory_space<vmem_shared>>) target(%dma_start3A_157 : memref<288x128xf32, #tpu.memory_space<hbm>>) target_semaphore(%run_scoped3A : memref<!tpu.dma_semaphore, #tpu.memory_space<semaphore_mem>>)
      %dma_wait3A_160 = arith.constant 0 : i32
      %dma_wait3A_161 = tpu.memref_slice %arg4[%arg0, %add3A_150, %dma_wait3A_160] : memref<2x10240x128xf32, #tpu.memory_space<hbm>> -> memref<1x288x128xf32, #tpu.memory_space<hbm>>
      %dma_wait3A_162 = tpu.memref_squeeze %dma_wait3A_161 : memref<1x288x128xf32, #tpu.memory_space<hbm>> -> memref<288x128xf32, #tpu.memory_space<hbm>>
      %dma_wait3A_163 = arith.constant 0 : i32
      %dma_wait3A_164 = tpu.memref_slice %arg11[%add3A_148, %dma_wait3A_163] : memref<10240x128xf32, #tpu.memory_space<vmem_shared>> -> memref<288x128xf32, #tpu.memory_space<vmem_shared>>
      tpu.wait_dma2 semaphore(%run_scoped3A : memref<!tpu.dma_semaphore, #tpu.memory_space<semaphore_mem>>) src(%dma_wait3A_164 : memref<288x128xf32, #tpu.memory_space<vmem_shared>>) dst(%dma_wait3A_162 : memref<288x128xf32, #tpu.memory_space<hbm>>)
      tpu.yield
    }) : () -> ()
    %add3A_151 = arith.constant 576 : i32
    %add3A_152 = arith.addi %mul3A_41, %add3A_151 : i32
    %add3A_153 = arith.constant 576 : i32
    %add3A_154 = arith.addi %mul3A_41, %add3A_153 : i32
    "tpu.region"() ({
      %run_scoped3A = tpu.sem_alloc : memref<!tpu.dma_semaphore, #tpu.memory_space<semaphore_mem>>
      %dma_start3A_155 = arith.constant 0 : i32
      %dma_start3A_156 = tpu.memref_slice %arg4[%arg0, %add3A_154, %dma_start3A_155] : memref<2x10240x128xf32, #tpu.memory_space<hbm>> -> memref<1x64x128xf32, #tpu.memory_space<hbm>>
      %dma_start3A_157 = tpu.memref_squeeze %dma_start3A_156 : memref<1x64x128xf32, #tpu.memory_space<hbm>> -> memref<64x128xf32, #tpu.memory_space<hbm>>
      %dma_start3A_158 = arith.constant 0 : i32
      %dma_start3A_159 = tpu.memref_slice %arg11[%add3A_152, %dma_start3A_158] : memref<10240x128xf32, #tpu.memory_space<vmem_shared>> -> memref<64x128xf32, #tpu.memory_space<vmem_shared>>
      tpu.enqueue_dma source(%dma_start3A_159 : memref<64x128xf32, #tpu.memory_space<vmem_shared>>) target(%dma_start3A_157 : memref<64x128xf32, #tpu.memory_space<hbm>>) target_semaphore(%run_scoped3A : memref<!tpu.dma_semaphore, #tpu.memory_space<semaphore_mem>>)
      %dma_wait3A_160 = arith.constant 0 : i32
      %dma_wait3A_161 = tpu.memref_slice %arg4[%arg0, %add3A_154, %dma_wait3A_160] : memref<2x10240x128xf32, #tpu.memory_space<hbm>> -> memref<1x64x128xf32, #tpu.memory_space<hbm>>
      %dma_wait3A_162 = tpu.memref_squeeze %dma_wait3A_161 : memref<1x64x128xf32, #tpu.memory_space<hbm>> -> memref<64x128xf32, #tpu.memory_space<hbm>>
      %dma_wait3A_163 = arith.constant 0 : i32
      %dma_wait3A_164 = tpu.memref_slice %arg11[%add3A_152, %dma_wait3A_163] : memref<10240x128xf32, #tpu.memory_space<vmem_shared>> -> memref<64x128xf32, #tpu.memory_space<vmem_shared>>
      tpu.wait_dma2 semaphore(%run_scoped3A : memref<!tpu.dma_semaphore, #tpu.memory_space<semaphore_mem>>) src(%dma_wait3A_164 : memref<64x128xf32, #tpu.memory_space<vmem_shared>>) dst(%dma_wait3A_162 : memref<64x128xf32, #tpu.memory_space<hbm>>)
      tpu.yield
    }) : () -> ()
    return
  }
}

#map = affine_map<(d0, d1) -> (0)>
#map1 = affine_map<(d0, d1) -> (0, 0)>
module attributes {stable_mosaic.version = 14 : i64} {
  func.func @_deg_body(%arg0: i32, %arg1: i32, %arg2: memref<640000xi32, #tpu.memory_space<hbm>>, %arg3: memref<32x10240xf32, #tpu.memory_space<hbm>>, %arg4: memref<10000xi32, #tpu.memory_space<vmem>>, %arg5: memref<10240xf32, #tpu.memory_space<vmem>>, %arg6: memref<!tpu.dma_semaphore, #tpu.memory_space<semaphore_mem>>) attributes {dimension_semantics = [#tpu.dimension_semantics<core_parallel>, #tpu.dimension_semantics<subcore_parallel>], iteration_bounds = array<i64: 2, 16>, scalar_prefetch = 0 : i64, scratch_operands = 3 : i64, tpu.core_type = #tpu.core_type<sc_vector_subcore>, window_params = [{transform_indices = #map}, {transform_indices = #map1}]} {
    %mul3A = arith.constant 2 : i32
    %mul3A_0 = arith.muli %arg1, %mul3A : i32
    %add3A = arith.addi %mul3A_0, %arg0 : i32
    %mul3A_1 = arith.constant 10000 : i32
    %mul3A_2 = arith.muli %add3A, %mul3A_1 : i32
    "tpu.region"() ({
      %run_scoped3A = tpu.sem_alloc : memref<!tpu.dma_semaphore, #tpu.memory_space<semaphore_mem>>
      %dma_start3A = tpu.memref_slice %arg2[%mul3A_2] : memref<640000xi32, #tpu.memory_space<hbm>> -> memref<10000xi32, #tpu.memory_space<hbm>>
      %dma_start3A_20 = tpu.memref_slice %arg2[%mul3A_2] : memref<640000xi32, #tpu.memory_space<hbm>> -> memref<10000xi32, #tpu.memory_space<hbm>>
      tpu.enqueue_dma source(%dma_start3A_20 : memref<10000xi32, #tpu.memory_space<hbm>>) target(%arg4 : memref<10000xi32, #tpu.memory_space<vmem>>) target_semaphore(%run_scoped3A : memref<!tpu.dma_semaphore, #tpu.memory_space<semaphore_mem>>)
      %dma_wait3A = tpu.memref_slice %arg2[%mul3A_2] : memref<640000xi32, #tpu.memory_space<hbm>> -> memref<10000xi32, #tpu.memory_space<hbm>>
      %dma_wait3A_21 = tpu.memref_slice %arg2[%mul3A_2] : memref<640000xi32, #tpu.memory_space<hbm>> -> memref<10000xi32, #tpu.memory_space<hbm>>
      tpu.wait_dma2 semaphore(%run_scoped3A : memref<!tpu.dma_semaphore, #tpu.memory_space<semaphore_mem>>) src(%dma_wait3A_21 : memref<10000xi32, #tpu.memory_space<hbm>>) dst(%arg4 : memref<10000xi32, #tpu.memory_space<vmem>>)
      tpu.yield
    }) : () -> ()
    %broadcast_in_dim3A = arith.constant 0.000000e+00 : f32
    %broadcast_in_dim3A_3 = vector.broadcast %broadcast_in_dim3A : f32 to vector<16xf32>
    %scan3A = arith.constant 0 : i32
    %scan3A_4 = arith.constant 0 : i32
    %scan3A_5 = arith.constant 640 : i32
    %scan3A_6 = arith.addi %scan3A_4, %scan3A_5 : i32
    %scan3A_7 = arith.constant 1 : i32
    %scan3A_8 = scf.for %scan3A_20 = %scan3A_4 to %scan3A_6 step %scan3A_7 iter_args(%scan3A_21 = %scan3A) -> (i32)  : i32 {
      %mul3A_22 = arith.constant 16 : i32
      %mul3A_23 = arith.muli %scan3A_20, %mul3A_22 : i32
      %swap3A = arith.index_cast %mul3A_23 : i32 to index
      %swap3A_24 = tpu.vector_load %arg5[%swap3A] {strides = array<i32>} : memref<10240xf32, #tpu.memory_space<vmem>>, vector<16xf32>,
      tpu.vector_store %arg5[%swap3A], %broadcast_in_dim3A_3 {strides = array<i32>} : memref<10240xf32, #tpu.memory_space<vmem>>, vector<16xf32>,
      %scan3A_25 = arith.constant 0 : i32
      scf.yield %scan3A_25 : i32
    }
    %scan3A_9 = arith.constant 640 : i32
    %broadcast_in_dim3A_10 = arith.constant 1.000000e+00 : f32
    %broadcast_in_dim3A_11 = vector.broadcast %broadcast_in_dim3A_10 : f32 to vector<16xf32>
    %scan3A_12 = arith.constant 0 : i32
    %scan3A_13 = arith.constant 0 : i32
    %scan3A_14 = arith.constant 156 : i32
    %scan3A_15 = arith.addi %scan3A_13, %scan3A_14 : i32
    %scan3A_16 = arith.constant 1 : i32
    %scan3A_17 = scf.for %scan3A_20 = %scan3A_13 to %scan3A_15 step %scan3A_16 iter_args(%scan3A_21 = %scan3A_12) -> (i32)  : i32 {
      %mul3A_22 = arith.constant 4 : i32
      %mul3A_23 = arith.muli %scan3A_20, %mul3A_22 : i32
      %add3A_24 = arith.constant 0 : i32
      %add3A_25 = arith.addi %mul3A_23, %add3A_24 : i32
      %mul3A_26 = arith.constant 16 : i32
      %mul3A_27 = arith.muli %add3A_25, %mul3A_26 : i32
      %get3A_28 = arith.index_cast %mul3A_27 : i32 to index
      %get3A_29 = tpu.vector_load %arg4[%get3A_28] {strides = array<i32>} : memref<10000xi32, #tpu.memory_space<vmem>>, vector<16xi32>,
      tpu.vector_store_idx %arg5[%get3A_29], %broadcast_in_dim3A_11 {add = true} : memref<10240xf32, #tpu.memory_space<vmem>>[vector<16xi32>], vector<16xf32>,
      %mul3A_30 = arith.constant 4 : i32
      %mul3A_31 = arith.muli %scan3A_20, %mul3A_30 : i32
      %add3A_32 = arith.constant 1 : i32
      %add3A_33 = arith.addi %mul3A_31, %add3A_32 : i32
      %mul3A_34 = arith.constant 16 : i32
      %mul3A_35 = arith.muli %add3A_33, %mul3A_34 : i32
      %get3A_36 = arith.index_cast %mul3A_35 : i32 to index
      %get3A_37 = tpu.vector_load %arg4[%get3A_36] {strides = array<i32>} : memref<10000xi32, #tpu.memory_space<vmem>>, vector<16xi32>,
      tpu.vector_store_idx %arg5[%get3A_37], %broadcast_in_dim3A_11 {add = true} : memref<10240xf32, #tpu.memory_space<vmem>>[vector<16xi32>], vector<16xf32>,
      %mul3A_38 = arith.constant 4 : i32
      %mul3A_39 = arith.muli %scan3A_20, %mul3A_38 : i32
      %add3A_40 = arith.constant 2 : i32
      %add3A_41 = arith.addi %mul3A_39, %add3A_40 : i32
      %mul3A_42 = arith.constant 16 : i32
      %mul3A_43 = arith.muli %add3A_41, %mul3A_42 : i32
      %get3A_44 = arith.index_cast %mul3A_43 : i32 to index
      %get3A_45 = tpu.vector_load %arg4[%get3A_44] {strides = array<i32>} : memref<10000xi32, #tpu.memory_space<vmem>>, vector<16xi32>,
      tpu.vector_store_idx %arg5[%get3A_45], %broadcast_in_dim3A_11 {add = true} : memref<10240xf32, #tpu.memory_space<vmem>>[vector<16xi32>], vector<16xf32>,
      %mul3A_46 = arith.constant 4 : i32
      %mul3A_47 = arith.muli %scan3A_20, %mul3A_46 : i32
      %add3A_48 = arith.constant 3 : i32
      %add3A_49 = arith.addi %mul3A_47, %add3A_48 : i32
      %mul3A_50 = arith.constant 16 : i32
      %mul3A_51 = arith.muli %add3A_49, %mul3A_50 : i32
      %get3A_52 = arith.index_cast %mul3A_51 : i32 to index
      %get3A_53 = tpu.vector_load %arg4[%get3A_52] {strides = array<i32>} : memref<10000xi32, #tpu.memory_space<vmem>>, vector<16xi32>,
      tpu.vector_store_idx %arg5[%get3A_53], %broadcast_in_dim3A_11 {add = true} : memref<10240xf32, #tpu.memory_space<vmem>>[vector<16xi32>], vector<16xf32>,
      %scan3A_54 = arith.constant 0 : i32
      scf.yield %scan3A_54 : i32
    }
    %scan3A_18 = arith.constant 156 : i32
    %get3A = arith.constant 9984 : index
    %get3A_19 = tpu.vector_load %arg4[%get3A] {strides = array<i32>} : memref<10000xi32, #tpu.memory_space<vmem>>, vector<16xi32>,
    tpu.vector_store_idx %arg5[%get3A_19], %broadcast_in_dim3A_11 {add = true} : memref<10240xf32, #tpu.memory_space<vmem>>[vector<16xi32>], vector<16xf32>,
    "tpu.region"() ({
      %run_scoped3A = tpu.sem_alloc : memref<!tpu.dma_semaphore, #tpu.memory_space<semaphore_mem>>
      %dma_start3A = arith.constant 0 : i32
      %dma_start3A_20 = tpu.memref_slice %arg3[%add3A, %dma_start3A] : memref<32x10240xf32, #tpu.memory_space<hbm>> -> memref<1x10240xf32, #tpu.memory_space<hbm>>
      %dma_start3A_21 = tpu.memref_squeeze %dma_start3A_20 : memref<1x10240xf32, #tpu.memory_space<hbm>> -> memref<10240xf32, #tpu.memory_space<hbm>>
      %dma_start3A_22 = arith.constant 0 : i32
      %dma_start3A_23 = tpu.memref_slice %arg3[%add3A, %dma_start3A_22] : memref<32x10240xf32, #tpu.memory_space<hbm>> -> memref<1x10240xf32, #tpu.memory_space<hbm>>
      %dma_start3A_24 = tpu.memref_squeeze %dma_start3A_23 : memref<1x10240xf32, #tpu.memory_space<hbm>> -> memref<10240xf32, #tpu.memory_space<hbm>>
      tpu.enqueue_dma source(%arg5 : memref<10240xf32, #tpu.memory_space<vmem>>) target(%dma_start3A_24 : memref<10240xf32, #tpu.memory_space<hbm>>) target_semaphore(%run_scoped3A : memref<!tpu.dma_semaphore, #tpu.memory_space<semaphore_mem>>)
      %dma_wait3A = arith.constant 0 : i32
      %dma_wait3A_25 = tpu.memref_slice %arg3[%add3A, %dma_wait3A] : memref<32x10240xf32, #tpu.memory_space<hbm>> -> memref<1x10240xf32, #tpu.memory_space<hbm>>
      %dma_wait3A_26 = tpu.memref_squeeze %dma_wait3A_25 : memref<1x10240xf32, #tpu.memory_space<hbm>> -> memref<10240xf32, #tpu.memory_space<hbm>>
      %dma_wait3A_27 = arith.constant 0 : i32
      %dma_wait3A_28 = tpu.memref_slice %arg3[%add3A, %dma_wait3A_27] : memref<32x10240xf32, #tpu.memory_space<hbm>> -> memref<1x10240xf32, #tpu.memory_space<hbm>>
      %dma_wait3A_29 = tpu.memref_squeeze %dma_wait3A_28 : memref<1x10240xf32, #tpu.memory_space<hbm>> -> memref<10240xf32, #tpu.memory_space<hbm>>
      tpu.wait_dma2 semaphore(%run_scoped3A : memref<!tpu.dma_semaphore, #tpu.memory_space<semaphore_mem>>) src(%arg5 : memref<10240xf32, #tpu.memory_space<vmem>>) dst(%dma_wait3A_29 : memref<10240xf32, #tpu.memory_space<hbm>>)
      tpu.yield
    }) : () -> ()
    return
  }
}

module attributes {stable_mosaic.version = 14 : i64} {
  func.func @_feat_body(%arg0: i32, %arg1: memref<32x5120xf32, #tpu.memory_space<vmem>>, %arg2: memref<5120x128xf32, #tpu.memory_space<vmem>>, %arg3: memref<5120x128xf32, #tpu.memory_space<vmem>>, %arg4: memref<5120x1xf32, #tpu.memory_space<vmem>>) attributes {dimension_semantics = [#tpu.dimension_semantics<arbitrary>], iteration_bounds = array<i64: 2>, scalar_prefetch = 0 : i64, scratch_operands = 0 : i64, tpu.core_type = #tpu.core_type<tc>, window_params = [{transform_indices = @transform_0, window_bounds = array<i64: 32, 5120>}, {transform_indices = @transform_1, window_bounds = array<i64: 5120, 128>}, {transform_indices = @transform_2, window_bounds = array<i64: 5120, 128>}, {transform_indices = @transform_3, window_bounds = array<i64: 5120, 1>}]} {
    %get3A = arith.constant 0 : index
    %get3A_0 = arith.constant 0 : index
    %get3A_1 = vector.load %arg1[%get3A, %get3A_0] : memref<32x5120xf32, #tpu.memory_space<vmem>>, vector<32x5120xf32>
    %broadcast_in_dim3A = arith.constant 1.000000e+00 : f32
    %broadcast_in_dim3A_2 = vector.broadcast %broadcast_in_dim3A : f32 to vector<32x1xf32>
    %dot_general3A = arith.constant dense<0.000000e+00> : vector<5120x1xf32>
    %dot_general3A_3 = tpu.matmul %get3A_1, %broadcast_in_dim3A_2, %dot_general3A {dimension_numbers = #tpu.dot_dimension_numbers<[0], [0], [1], [1], [0, 1, 1, 1], [], []>, transpose_lhs_hint = false} : vector<32x5120xf32>, vector<32x1xf32>, vector<5120x1xf32> -> vector<5120x1xf32>
    %max3A = arith.constant 1.000000e+00 : f32
    %max3A_4 = vector.broadcast %max3A : f32 to vector<5120x1xf32>
    %max3A_5 = arith.maximumf %dot_general3A_3, %max3A_4 : vector<5120x1xf32>
    %rsqrt3A = math.rsqrt %max3A_5 : vector<5120x1xf32>
    %swap3A = arith.constant 0 : index
    %swap3A_6 = arith.constant 0 : index
    %swap3A_7 = vector.load %arg4[%swap3A, %swap3A_6] : memref<5120x1xf32, #tpu.memory_space<vmem>>, vector<5120x1xf32>
    tpu.vector_store %arg4[%swap3A, %swap3A_6], %rsqrt3A {strides = array<i32>} : memref<5120x1xf32, #tpu.memory_space<vmem>>, vector<5120x1xf32>,
    %get3A_8 = arith.constant 0 : index
    %get3A_9 = arith.constant 0 : index
    %get3A_10 = vector.load %arg2[%get3A_8, %get3A_9] : memref<5120x128xf32, #tpu.memory_space<vmem>>, vector<5120x128xf32>
    %mul3A = vector.broadcast %rsqrt3A : vector<5120x1xf32> to vector<5120x128xf32>
    %mul3A_11 = arith.mulf %get3A_10, %mul3A : vector<5120x128xf32>
    %swap3A_12 = arith.constant 0 : index
    %swap3A_13 = arith.constant 0 : index
    %swap3A_14 = vector.load %arg3[%swap3A_12, %swap3A_13] : memref<5120x128xf32, #tpu.memory_space<vmem>>, vector<5120x128xf32>
    tpu.vector_store %arg3[%swap3A_12, %swap3A_13], %mul3A_11 {strides = array<i32>} : memref<5120x128xf32, #tpu.memory_space<vmem>>, vector<5120x128xf32>,
    return
  }
  func.func @transform_0(%arg0: i32) -> (i32, i32) {
    %c0_i32 = arith.constant 0 : i32
    %c0_i32_0 = arith.constant 0 : i32
    return %c0_i32, %arg0 : i32, i32
  }
  func.func @transform_1(%arg0: i32) -> (i32, i32) {
    %c0_i32 = arith.constant 0 : i32
    %c0_i32_0 = arith.constant 0 : i32
    return %arg0, %c0_i32 : i32, i32
  }
  func.func @transform_2(%arg0: i32) -> (i32, i32) {
    %c0_i32 = arith.constant 0 : i32
    %c0_i32_0 = arith.constant 0 : i32
    return %arg0, %c0_i32 : i32, i32
  }
  func.func @transform_3(%arg0: i32) -> (i32, i32) {
    %c0_i32 = arith.constant 0 : i32
    %c0_i32_0 = arith.constant 0 : i32
    return %arg0, %c0_i32 : i32, i32
  }
}

module attributes {stable_mosaic.version = 14 : i64} {
  func.func @_head_body(%arg0: i32, %arg1: memref<2x2000x128xf32, #tpu.memory_space<vmem>>, %arg2: memref<2000x1xf32, #tpu.memory_space<vmem>>, %arg3: memref<128x128xf32, #tpu.memory_space<vmem>>, %arg4: memref<1x128xf32, #tpu.memory_space<vmem>>, %arg5: memref<64x128xf32, #tpu.memory_space<vmem>>, %arg6: memref<1x64xf32, #tpu.memory_space<vmem>>, %arg7: memref<2000x64xf32, #tpu.memory_space<vmem>>, %arg8: memref<2000x64xf32, #tpu.memory_space<vmem>>) attributes {dimension_semantics = [#tpu.dimension_semantics<arbitrary>], iteration_bounds = array<i64: 5>, scalar_prefetch = 0 : i64, scratch_operands = 0 : i64, tpu.core_type = #tpu.core_type<tc>, window_params = [{transform_indices = @transform_0, window_bounds = array<i64: 2, 2000, 128>}, {transform_indices = @transform_1, window_bounds = array<i64: 2000, 1>}, {pipeline_mode = #tpu.pipeline_mode<synchronous>, transform_indices = @transform_2, window_bounds = array<i64: 128, 128>}, {pipeline_mode = #tpu.pipeline_mode<synchronous>, transform_indices = @transform_3, window_bounds = array<i64: 1, 128>}, {pipeline_mode = #tpu.pipeline_mode<synchronous>, transform_indices = @transform_4, window_bounds = array<i64: 64, 128>}, {pipeline_mode = #tpu.pipeline_mode<synchronous>, transform_indices = @transform_5, window_bounds = array<i64: 1, 64>}, {transform_indices = @transform_6, window_bounds = array<i64: 2000, 64>}, {transform_indices = @transform_7, window_bounds = array<i64: 2000, 64>}]} {
    %get3A = arith.constant 0 : index
    %get3A_0 = arith.constant 0 : index
    %get3A_1 = arith.constant 0 : index
    %get3A_2 = vector.load %arg1[%get3A, %get3A_0, %get3A_1] : memref<2x2000x128xf32, #tpu.memory_space<vmem>>, vector<1x2000x128xf32>
    %get3A_3 = vector.shape_cast %get3A_2 : vector<1x2000x128xf32> to vector<2000x128xf32>
    %get3A_4 = arith.constant 1 : index
    %get3A_5 = arith.constant 0 : index
    %get3A_6 = arith.constant 0 : index
    %get3A_7 = vector.load %arg1[%get3A_4, %get3A_5, %get3A_6] : memref<2x2000x128xf32, #tpu.memory_space<vmem>>, vector<1x2000x128xf32>
    %get3A_8 = vector.shape_cast %get3A_7 : vector<1x2000x128xf32> to vector<2000x128xf32>
    %add3A = arith.addf %get3A_3, %get3A_8 : vector<2000x128xf32>
    %get3A_9 = arith.constant 0 : index
    %get3A_10 = arith.constant 0 : index
    %get3A_11 = vector.load %arg3[%get3A_9, %get3A_10] : memref<128x128xf32, #tpu.memory_space<vmem>>, vector<128x128xf32>
    %dot_general3A = arith.constant dense<0.000000e+00> : vector<2000x128xf32>
    %dot_general3A_12 = tpu.matmul %add3A, %get3A_11, %dot_general3A {dimension_numbers = #tpu.dot_dimension_numbers<[1], [0], [0], [1], [0, 0, 1, 1], [], []>, transpose_lhs_hint = false} : vector<2000x128xf32>, vector<128x128xf32>, vector<2000x128xf32> -> vector<2000x128xf32>
    %get3A_13 = arith.constant 0 : index
    %get3A_14 = arith.constant 0 : index
    %get3A_15 = vector.load %arg2[%get3A_13, %get3A_14] : memref<2000x1xf32, #tpu.memory_space<vmem>>, vector<2000x1xf32>
    %mul3A = vector.broadcast %get3A_15 : vector<2000x1xf32> to vector<2000x128xf32>
    %mul3A_16 = arith.mulf %dot_general3A_12, %mul3A : vector<2000x128xf32>
    %get3A_17 = arith.constant 0 : index
    %get3A_18 = arith.constant 0 : index
    %get3A_19 = vector.load %arg4[%get3A_17, %get3A_18] : memref<1x128xf32, #tpu.memory_space<vmem>>, vector<1x128xf32>
    %add3A_20 = vector.broadcast %get3A_19 : vector<1x128xf32> to vector<2000x128xf32>
    %add3A_21 = arith.addf %mul3A_16, %add3A_20 : vector<2000x128xf32>
    %max3A = arith.constant 0.000000e+00 : f32
    %max3A_22 = vector.broadcast %max3A : f32 to vector<2000x128xf32>
    %max3A_23 = arith.maximumf %add3A_21, %max3A_22 : vector<2000x128xf32>
    %get3A_24 = arith.constant 0 : index
    %get3A_25 = arith.constant 0 : index
    %get3A_26 = vector.load %arg5[%get3A_24, %get3A_25] : memref<64x128xf32, #tpu.memory_space<vmem>>, vector<64x128xf32>
    %dot_general3A_27 = arith.constant dense<0.000000e+00> : vector<2000x64xf32>
    %dot_general3A_28 = tpu.matmul %max3A_23, %get3A_26, %dot_general3A_27 {dimension_numbers = #tpu.dot_dimension_numbers<[1], [1], [0], [0], [0, 0, 1, 0], [], []>, transpose_lhs_hint = false} : vector<2000x128xf32>, vector<64x128xf32>, vector<2000x64xf32> -> vector<2000x64xf32>
    %get3A_29 = arith.constant 0 : index
    %get3A_30 = arith.constant 0 : index
    %get3A_31 = vector.load %arg6[%get3A_29, %get3A_30] : memref<1x64xf32, #tpu.memory_space<vmem>>, vector<1x64xf32>
    %add3A_32 = vector.broadcast %get3A_31 : vector<1x64xf32> to vector<2000x64xf32>
    %add3A_33 = arith.addf %dot_general3A_28, %add3A_32 : vector<2000x64xf32>
    %swap3A = arith.constant 0 : index
    %swap3A_34 = arith.constant 0 : index
    %swap3A_35 = vector.load %arg7[%swap3A, %swap3A_34] : memref<2000x64xf32, #tpu.memory_space<vmem>>, vector<2000x64xf32>
    tpu.vector_store %arg7[%swap3A, %swap3A_34], %add3A_33 {strides = array<i32>} : memref<2000x64xf32, #tpu.memory_space<vmem>>, vector<2000x64xf32>,
    %swap3A_36 = arith.constant 0 : index
    %swap3A_37 = arith.constant 0 : index
    %swap3A_38 = vector.load %arg8[%swap3A_36, %swap3A_37] : memref<2000x64xf32, #tpu.memory_space<vmem>>, vector<2000x64xf32>
    tpu.vector_store %arg8[%swap3A_36, %swap3A_37], %add3A_33 {strides = array<i32>} : memref<2000x64xf32, #tpu.memory_space<vmem>>, vector<2000x64xf32>,
    return
  }
  func.func @transform_0(%arg0: i32) -> (i32, i32, i32) {
    %c0_i32 = arith.constant 0 : i32
    %c0_i32_0 = arith.constant 0 : i32
    %c0_i32_1 = arith.constant 0 : i32
    return %c0_i32, %arg0, %c0_i32_0 : i32, i32, i32
  }
  func.func @transform_1(%arg0: i32) -> (i32, i32) {
    %c0_i32 = arith.constant 0 : i32
    %c0_i32_0 = arith.constant 0 : i32
    return %arg0, %c0_i32 : i32, i32
  }
  func.func @transform_2(%arg0: i32) -> (i32, i32) {
    %c0_i32 = arith.constant 0 : i32
    %c0_i32_0 = arith.constant 0 : i32
    %c0_i32_1 = arith.constant 0 : i32
    return %c0_i32, %c0_i32_0 : i32, i32
  }
  func.func @transform_3(%arg0: i32) -> (i32, i32) {
    %c0_i32 = arith.constant 0 : i32
    %c0_i32_0 = arith.constant 0 : i32
    %c0_i32_1 = arith.constant 0 : i32
    return %c0_i32, %c0_i32_0 : i32, i32
  }
  func.func @transform_4(%arg0: i32) -> (i32, i32) {
    %c0_i32 = arith.constant 0 : i32
    %c0_i32_0 = arith.constant 0 : i32
    %c0_i32_1 = arith.constant 0 : i32
    return %c0_i32, %c0_i32_0 : i32, i32
  }
  func.func @transform_5(%arg0: i32) -> (i32, i32) {
    %c0_i32 = arith.constant 0 : i32
    %c0_i32_0 = arith.constant 0 : i32
    %c0_i32_1 = arith.constant 0 : i32
    return %c0_i32, %c0_i32_0 : i32, i32
  }
  func.func @transform_6(%arg0: i32) -> (i32, i32) {
    %c0_i32 = arith.constant 0 : i32
    %c0_i32_0 = arith.constant 0 : i32
    return %arg0, %c0_i32 : i32, i32
  }
  func.func @transform_7(%arg0: i32) -> (i32, i32) {
    %c0_i32 = arith.constant 0 : i32
    %c0_i32_0 = arith.constant 0 : i32
    return %arg0, %c0_i32 : i32, i32
  }
}

</mosaic_0001>

<sc_bundles>
// kernel: kernel.6.cloned.1.call-start
scs
__scs_entry_jumppad:
0x0: {  	(pc) =	sbr.rel $0x88, $3  }
0x1: {  	(tag) =	ssettag $0x0;
	lr =	simm.s32 $0x1  }
0x2: {  	[smem:$0x3F9B] =	sst lr;
	_ =	strace $0xD0000000  }
0x3: {  	_ = 	snop  }
0x4: {  	_ = 	snop  }
0x5: {  	_ = 	snop  }
0x6: {  	_ = 	snop  }
0x7: {  	_ = 	snop  }
__scs_overlays_trampoline_lowered:
0x8: {  	[smem:$0x3FAA] =	sst s0  }
0x9: {  	[smem:$0x3FAB] =	sst s1  }
0xa: {  	[smem:$0x3FAC] =	sst s2  }
0xb: {  	[smem:$0x3FAD] =	sst s3  }
0xc: {  	[smem:$0x3FAE] =	sst s4  }
0xd: {  	[smem:$0x3FAF] =	sst s5  }
0xe: {  	[smem:$0x3FB0] =	sst s6  }
0xf: {  	[smem:$0x3FB1] =	sst s7  }
0x10: {  	[smem:$0x3FB2] =	sst s8  }
0x11: {  	[smem:$0x3FB3] =	sst s9;
	s0 =	simm.s32 @!p0 $0x0  }
0x12: {  	s1 =	sld [smem:$0x3F99];
	s0 =	simm.s32 @p0 $0x1  }
0x13: {  	[smem:$0x3FB4] =	sst s0;
	s0 =	simm.s32 @!p1 $0x0  }
0x14: {  	s2 =	sld [smem:$0x3F98];
	s0 =	simm.s32 @p1 $0x1  }
0x15: {  	[smem:$0x3FB5] =	sst s0;
	s0 =	simm.s32 @!p2 $0x0  }
0x16: {  	s3 =	sld [smem:$0x3FDB];
	s0 =	simm.s32 @p2 $0x1  }
0x17: {  	s4 =	simm.s32 $0x1BF5;
	[smem:$0x3FB7] =	sst s0  }
0x18: {  	s0 =	sld [smem:$0x3F9A];
	_ =	swait.ge [sflag:s4], $0x0  }
0x19: {  	s7 =	sld [smem:$0x3F9B]  }
0x1a: {  	s8 =	sadd.s32 $0xFFFFE003, lr  }
0x1b: {  	s9 =	sadd.s32 $0xFFFFFEF7, lr;
	s5 =	simm.s32 $0xFFFFFFFF;
	p2 =	slt.u32 s8, $0xFFFFF086  }
0x1c: {  	p1 =	slt.u32 s9, $0xF7A;
	s5 =	simm.s32 @!p2 $0x0  }
0x1d: {  	s5 =	simm.s32 @p1 $0x1;
	p0 =	seq.s32 s7, s2  }
0x1e: {  	s7 =	smul.u32 @!p0 $0xF7A, s2;
	p2 =	seq.s32 @!p0 s5, $0x0  }
0x1f: {  	s9 =	smul.u32 $0xF7A, s1;
	s8 =	simm.s32 @!p0 $0x1BF5;
	p2 =	por !p2, p0  }
0x20: {  	[sflag:s8] =	ssyncset.s32 @!p0 $0xFFFFF086;
	s6 =	sadd.s32 @!p0 s3, s7;
	s7 =	simm.s32 @!p0 $0x108  }
0x21: {  	s3 =	sadd.s32 s3, s9;
	s6 =	sadd.s32 @!p0 $0x88, s6;
	s7 =	simm.s32 @p2 $0x1082  }
0x22: {  	[simem:s7], [sflag:s8] =	dma.local @!p0 [hbm:s6], $0xF7A  }
0x23: {  	s9 =	sor.u32 $0xD0000000, s2;
	s6 =	simm.s32 $0x108;
	_ =	swait.ge @!p0 [sflag:s8], $0x0  }
0x24: {  	s3 =	sadd.s32 $0x88, s3;
	s6 =	simm.s32 @!p1 $0x1082;
	[sflag:s4] =	ssyncset.s32 $0xFFFFF086  }
0x25: {  	[simem:s6], [sflag:s4] =	dma.local [hbm:s3], $0xF7A  }
0x26: {  	[smem:$0x3F9B] =	sst s1;
	(tag) =	ssettag s2;
	_ =	strace s9  }
0x27: {  	s1 =	sld [smem:$0x3FAB]  }
0x28: {  	s2 =	sld [smem:$0x3FAC]  }
0x29: {  	s4 =	sld [smem:$0x3FAE]  }
0x2a: {  	p0 =	seq.s32 s5, $0x0;
	s5 =	sld [smem:$0x3FAF]  }
0x2b: {  	s6 =	sld [smem:$0x3FB0]  }
0x2c: {  	s7 =	sld [smem:$0x3FB1]  }
0x2d: {  	s3 =	simm.s32 $0x108;
	s8 =	sld [smem:$0x3FB2]  }
0x2e: {  	s3 =	simm.s32 @!p0 $0x1082;
	s9 =	sld [smem:$0x3FB3]  }
0x2f: {  	lr =	sadd.s32 s0, s3;
	s0 =	sld [smem:$0x3FAA]  }
0x30: {  	s3 =	sld [smem:$0x3FAD]  }
0x31: {  	[smem:$0x3FB6] =	sst s10  }
0x32: {  	s10 =	sld [smem:$0x3FB4];
	_ =	sdelay $0x3  }
0x33: {  	p0 =	seq.s32 s10, $0x1;
	s10 =	sld [smem:$0x3FB6];
	_ =	sdelay $0x3  }
0x34: {  	[smem:$0x3FB6] =	sst s10  }
0x35: {  	s10 =	sld [smem:$0x3FB5];
	_ =	sdelay $0x3  }
0x36: {  	p1 =	seq.s32 s10, $0x1;
	s10 =	sld [smem:$0x3FB6];
	_ =	sdelay $0x3  }
0x37: {  	[smem:$0x3FB6] =	sst s10  }
0x38: {  	s10 =	sld [smem:$0x3FB7]  }
0x39: {  	_ = 	snop;
	(pc) =	sbr.ind lr, $3  }
0x3a: {  	_ = 	snop  }
0x3b: {  	_ = 	snop  }
0x3c: {  	p2 =	seq.s32 s10, $0x1;
	s10 =	sld [smem:$0x3FB6]  }
0x3d: {  	_ =	shalt  }
0x3e: {  	_ =	shalt  }
0x3f: {  	_ =	shalt  }
0x40: {  	_ =	shalt  }
0x41: {  	_ =	shalt  }
0x42: {  	_ =	shalt  }
0x43: {  	_ =	shalt  }
0x44: {  	_ =	shalt  }
0x45: {  	_ =	shalt  }
0x46: {  	_ =	shalt  }
0x47: {  	_ =	shalt  }
0x48: {  	_ =	shalt  }
0x49: {  	_ =	shalt  }
0x4a: {  	_ =	shalt  }
0x4b: {  	_ =	shalt  }
0x4c: {  	_ =	shalt  }
0x4d: {  	_ =	shalt  }
0x4e: {  	_ =	shalt  }
0x4f: {  	_ =	shalt  }
0x50: {  	_ =	shalt  }
0x51: {  	_ =	shalt  }
0x52: {  	_ =	shalt  }
0x53: {  	_ =	shalt  }
0x54: {  	_ =	shalt  }
0x55: {  	_ =	shalt  }
0x56: {  	_ =	shalt  }
0x57: {  	_ =	shalt  }
0x58: {  	_ =	shalt  }
0x59: {  	_ =	shalt  }
0x5a: {  	_ =	shalt  }
0x5b: {  	_ =	shalt  }
0x5c: {  	_ =	shalt  }
0x5d: {  	_ =	shalt  }
0x5e: {  	_ =	shalt  }
0x5f: {  	_ =	shalt  }
0x60: {  	_ =	shalt  }
0x61: {  	_ =	shalt  }
0x62: {  	_ =	shalt  }
0x63: {  	_ =	shalt  }
0x64: {  	_ =	shalt  }
0x65: {  	_ =	shalt  }
0x66: {  	_ =	shalt  }
0x67: {  	_ =	shalt  }
0x68: {  	_ =	shalt  }
0x69: {  	_ =	shalt  }
0x6a: {  	_ =	shalt  }
0x6b: {  	_ =	shalt  }
0x6c: {  	_ =	shalt  }
0x6d: {  	_ =	shalt  }
0x6e: {  	_ =	shalt  }
0x6f: {  	_ =	shalt  }
0x70: {  	_ =	shalt  }
0x71: {  	_ =	shalt  }
0x72: {  	_ =	shalt  }
0x73: {  	_ =	shalt  }
0x74: {  	_ =	shalt  }
0x75: {  	_ =	shalt  }
0x76: {  	_ =	shalt  }
0x77: {  	_ =	shalt  }
0x78: {  	_ =	shalt  }
0x79: {  	_ =	shalt  }
0x7a: {  	_ =	shalt  }
0x7b: {  	_ =	shalt  }
0x7c: {  	_ =	shalt  }
0x7d: {  	_ =	shalt  }
0x7e: {  	_ =	shalt  }
0x7f: {  	_ =	shalt  }
0x80: {  	_ =	shalt  }
0x81: {  	_ =	shalt  }
0x82: {  	_ =	shalt  }
0x83: {  	_ =	shalt  }
0x84: {  	_ =	shalt  }
0x85: {  	_ =	shalt  }
0x86: {  	_ =	shalt  }
0x87: {  	_ =	shalt  }
.Lfunc_end0:
.L_simem_size_0:
called_computation_lowered:
.L_overlay_start_0:
0x88: {  	s2 =	sld [smem:$0x3FD9]  }
0x89: {  	s3 =	sld [smem:$0x3FFE];
	_ =	sdelay $0x1  }
0x8a: {  	s1 =	srdreg.scid  }
0x8b: {  	s0 =	sand.u32 $0x1, s1  }
0x8c: {  	s15 =	sshll.u32 s0, $0xA;
	s2 =	sadd.s32 s3, s2  }
0x8d: {  	s2 =	sadd.s32 s2, s15  }
0x8e: {  	[smem:$0x3FC2] =	sst s2  }
0x8f: {  	_ = 	snop  }
0x90: {  	s2 =	sld [smem:$0x3FD0];
	_ =	sdelay $0x2  }
0x91: {  	s16 =	simm.s32 $0xA;
	s4 =	simm.s32 $0x10  }
0x92: {  	[smem:s4], [sflag:s16] =	dma.local [hbm:s2], $0x1  }
0x93: {  	_ =	swait.eq [sflag:s16], $0x1  }
0x94: {  	[sflag:s16] =	ssyncset.done $0x0  }
0x95: {  	s17 =	sld [smem:$0x10];
	[sflag:s16] =	ssyncadd.s32 $0xFFFFFFFF  }
0x96: {  	s18 =	sld [smem:$0x11];
	(tm) =	ssettm $0x1  }
0x97: {  	s19 =	sld [smem:$0x3FFB];
	_ =	sdelay $0x3  }
0x98: {  	_ =	strace s19  }
0x99: {  	s4 =	sld [smem:$0x3FFC];
	_ =	sdelay $0x3  }
0x9a: {  	_ =	strace s4  }
0x9b: {  	s4 =	sld [smem:$0x3FFD];
	_ =	sdelay $0x3  }
0x9c: {  	_ =	strace s4  }
0x9d: {  	_ =	strace $0x8FFFFFFF  }
0x9e: {  	s20 =	sld [smem:$0x3FDB];
	_ =	sdelay $0x1  }
0x9f: {  	s5 =	simm.s32 $_scs_section_size  }
0xa0: {  	s6 =	simm.s32 $_size__tile_overlayer_lowered;
	s7 =	simm.s32 $_tile_overlayer_lowered  }
0xa1: {  	s23 =	simm.s32 $0x1BFF;
	s22 =	sshll.u32 s7, $0x1;
	s4 =	sadd.s32 s5, s20  }
0xa2: {  	s8 =	simm.s32 $0x0;
	s21 =	sshll.u32 s6, $0x1;
	s6 =	sadd.s32 s22, s4  }
0xa3: {  	[timem:s8], [sflag:s23] =	dma.local [hbm:s6], s21  }
0xa4: {  	_ =	swait.ge [sflag:s23], s21  }
0xa5: {  	s5 =	ssub.s32 $0x0, s21;
	[sflag:s23] =	ssyncset.done $0x0  }
0xa6: {  	[sflag:s23] =	ssyncadd.s32 s5;
	_ =	sdelay $0x1  }
0xa7: {  	s24 =	simm.s32 $0x1B8B  }
0xa8: {  	_ =	swait.ge [sflag:s24], $0x1  }
0xa9: {  	[sflag:s24] =	ssyncset.done $0x0  }
0xaa: {  	s25 =	simm.s32 $0x1B8E;
	[sflag:s24] =	ssyncadd.s32 $0xFFFFFFFF  }
0xab: {  	s26 =	simm.s32 $execute0_lowered;
	[smem:$0x3FD2] =	sst s25  }
0xac: {  	s5 =	sshll.u32 s26, $0x1;
	_ =	strace $0x80000046;
	[dreg:$0x1] =	wrdreg $0xFFFFFFFF  }
0xad: {  	s28 =	simm.s32 $_size_execute0_lowered;
	s4 =	sadd.s32 s4, s5;
	[dreg:$0x0] =	wrdreg $0x0  }
0xae: {  	s5 =	sshll.u32 s28, $0x1;
	[dreg:$0x2] =	wrdreg s4  }
0xaf: {  	[dreg:$0x3] =	wrdreg s5  }
0xb0: {  	[dreg:$0x4] =	wrdreg $0xC0  }
0xb1: {  	_ =	task [dreg:s8], $0x5FFFF  }
0xb2: {  	[dreg:$0x1] =	wrdreg $0xFFFFFFFF  }
0xb3: {  	[dreg:$0x0] =	wrdreg $0x60  }
0xb4: {  	[dreg:$0x2] =	wrdreg s18  }
0xb5: {  	[dreg:$0x3] =	wrdreg s17  }
0xb6: {  	[dreg:$0x4] =	wrdreg $0x9  }
0xb7: {  	_ =	task.clear_ibuf [dreg:s8], $0x5FFFF;
	_ =	strace $0x90000046  }
0xb8: {  	s29 =	simm.s32 $0x9;
	_ =	strace $0x80000048  }
0xb9: {  	_ =	swait.ge [sflag:s29], $0x1  }
0xba: {  	[sflag:s29] =	ssyncadd.s32 $0xFFFFFFFF  }
0xbb: {  	_ =	strace $0x90000048  }
0xbc: {  	_ =	sfence  }
0xbd: {  	s30 =	sld [smem:$0x0];
	_ =	sdelay $0x2  }
0xbe: {  	s31 =	sshll.u32 s1, $0xD;
	s1 =	sshrl.u32 s1, $0x2  }
0xbf: {  	s3 =	sand.u32 $0x4000, s31;
	s1 =	sadd.s32 s1, s30  }
0xc0: {  	s0 =	sor.u32 s3, s0;
	s1 =	sshll.u32 s1, $0x11  }
0xc1: {  	s0 =	sor.u32 s1, s0  }
0xc2: {  	s0 =	sadd.s32 $0x8F2B, s0  }
0xc3: {  	[sflag:s0] =	ssyncadd.remote.s32 $0x1  }
0xc4: {  	_ =	sfence.sel $0xFFFF  }
0xc5: {  	[dreg:$0x0] =	wrdreg $0xFFFFFFFF;
	(pc) =	sbr.abs _section_cstart, $3  }
0xc6: {  	[dreg:$0x1] =	wrdreg $0xFFFFFFFF  }
0xc7: {  	_ =	task.clear_ibuf [dreg:s8], $0x2FFFF;
	_ =	strace $0x9FFFFFFF  }
0xc8: {  	(tm) =	ssettm $0x7FFFFFFF  }
0xc9: {  	_ =	shalt  }
tec
execute0_lowered:
.L_overlay_start_1:
0x0: {  	(tag) =	ssettag $0x1  }
0x1: {  	s3 =	rddreg [dreg:$0x0];
	s1 =	srdreg.scid  }
0x2: {  	s0 =	stileid.u32;
	s4 =	rddreg [dreg:$0x1];
	s9 =	simm.s32 $0x400  }
0x3: {  	s10 =	simm.s32 $0x0;
	s5 =	sand.u32 $0x1, s1;
	s2 =	sshll.u32 s0, $0x1  }
0x4: {  	s1 =	rddreg [dreg:$0x2];
	s7 =	sshrl.u32 s0, $0x2;
	s6 =	sor.u32 s5, s2  }
0x5: {  	s2 =	simm.s32 $0x0;
	s7 =	smul.u32 $0x14000, s7;
	s5 =	ssub.s32 $0x2, s5  }
0x6: {  	s8 =	sshll.u32 s6, $0x7;
	[smem:$0x7FF] =	sst s2;
	s6 =	smul.u32 $0x4E2, s6  }
0x7: {  	s31 =	sshrl.u32 s5, $0x1;
	s8 =	sand.u32 $0x380, s8;
	_ =	strace $0x80000047  }
0x8: {  	s5 =	ssub.s32 s5, s31;
	s7 =	sor.u32 s7, s8;
	s3 =	sadd.s32 s3, s6  }
0x9: {  	s5 =	smax.u32 s5, $0x1;
	s6 =	simm.s32 $0x1;
	s7 =	sshrl.u32 s7, $0x3  }
0xa: {  	v0 =	vimm.f32 $0.0e+00;
	v1 =	vimm.f32 $1.000000000e+00;
	s8 =	simm.s32 $0x80;
	s4 =	sadd.s32 s4, s7;
	s7 =	simm.s32 $0x2780  }
.LBB2_1:
0xb: {  	[tilespmem:s2], [sflag:$0x1] =	stream.linear.gather [hbm4b:s3+s2], $0x2710, $0x38;
	[tilespmem:$0x4F80] =	vst v63  }
0xc: {  	_ =	swait.ge [sflag:s6], $0x2710  }
0xd: {  	[sflag:s6] =	ssyncset.done $0x0  }
0xe: {  	s11 =	simm.s32 $0x0;
	[sflag:s6] =	ssyncadd.s32 $0xFFFFD8F0  }
.LBB2_2:
0xf: {  	p0 =	sne.s32 s11, $0x9FC0  }
.Ltmp0:
0x10: {  	_ = 	snop;
	(pc) =	sbr.rel @p0 .LBB2_2-.Ltmp0, $3  }
0x11: {  	_ =	sdelay $0x1  }
0x12: {  	s12 =	sshra.s32 s11, $0x2  }
0x13: {  	s11 =	sadd.s32 $0x40, s11;
	[tilespmem:s12+$0x2780] =	vst v0  }
0x14: {  	s11 =	simm.s32 $0x0  }
.LBB2_4:
0x15: {  	s12 =	sshra.s32 s11, $0x2  }
0x16: {  	v2 =	vld [tilespmem:s12+$0x0];
	_ =	sdelay $0x7  }
0x17: {  	[tilespmem:v2+s7+$0x0] =	vst.idx.add.f32.msk $0xffff, v1  }
0x18: {  	v2 =	vld [tilespmem:s12+$0x10];
	_ =	sdelay $0x7  }
0x19: {  	[tilespmem:v2+s7+$0x0] =	vst.idx.add.f32.msk $0xffff, v1  }
0x1a: {  	v2 =	vld [tilespmem:s12+$0x20];
	_ =	sdelay $0x7  }
0x1b: {  	[tilespmem:v2+s7+$0x0] =	vst.idx.add.f32.msk $0xffff, v1  }
0x1c: {  	v2 =	vld [tilespmem:s12+$0x30];
	_ =	sdelay $0x2  }
0x1d: {  	p0 =	sne.s32 s11, $0x9B00  }
.Ltmp1:
0x1e: {  	_ = 	snop;
	(pc) =	sbr.rel @p0 .LBB2_4-.Ltmp1, $2  }
0x1f: {  	_ =	sdelay $0x2  }
0x20: {  	s11 =	sadd.s32 $0x100, s11;
	[tilespmem:v2+s7+$0x0] =	vst.idx.add.f32.msk $0xffff, v1  }
0x21: {  	v2 =	vld [tilespmem:$0x2700];
	_ =	sdelay $0x5  }
0x22: {  	s10 =	sadd.s32 $0x1, s10  }
0x23: {  	p0 =	sne.s32 s10, s5  }
.Ltmp2:
0x24: {  	[tilespmem:v2+s7+$0x0] =	vst.idx.add.f32.msk $0xffff, v1;
	(pc) =	sbr.rel @p0 .LBB2_1-.Ltmp2, $4  }
0x25: {  	[hbm4b:s4+s8] =	stream.strided.scatter [tilespmem:s7], [sflag:$0x1], $0x2800, s9, s8, $0x38;
	[tilespmem:$0x4F80] =	vst v63  }
0x26: {  	_ =	swait.ge [sflag:s6], $0x2800  }
0x27: {  	[sflag:s6] =	ssyncset.done $0x0  }
0x28: {  	[sflag:s6] =	ssyncadd.s32 $0xFFFFD800  }
0x29: {  	_ =	sfence.sel $0x180000  }
0x2a: {  	[bflag:$0x0] =	sbarrier.arrive $0xFFFF  }
0x2b: {  	p0 =	sne.s32 s0, $0x0;
	_ =	strace $0x90000047  }
0x2c: {  	s0 =	sadd.s32 @!p0 $0x100000, s1;
	[bflag:$0x2] =	sbarrier.arrive $0xFFFF  }
0x2d: {  	[sflag:s0] =	ssyncadd.tile.s32 @!p0 $0x1;
	_ =	shalt  }
.Lfunc_end2:
_tile_overlayer_lowered:
.L_overlay_start_2:
0x2e: {  	(tag) =	ssettag $0x2  }
0x2f: {  	s0 =	rddreg [dreg:$0x0];
	s2 =	stileid.u32  }
0x30: {  	s1 =	rddreg [dreg:$0x1];
	p0 =	sne.s32 s2, $0x0  }
0x31: {  	s3 =	rddreg [dreg:$0x2];
	[bflag:$0x3] =	sbarrier.arrive $0xFFFF;
	s2 =	simm.s32 @!p0 $0x1C01  }
0x32: {  	[timem:s3], [sflag:s2] =	dma.local @!p0 [hbm:s0], s1  }
0x33: {  	s0 =	simm.s32 @!p0 $0x1  }
0x34: {  	_ =	swait.ge @!p0 [sflag:s0], s1  }
0x35: {  	s1 =	ssub.s32 @!p0 $0x0, s1;
	[sflag:s0] =	ssyncset.done @!p0 $0x0  }
0x36: {  	[sflag:s0] =	ssyncadd.s32 @!p0 s1  }
0x37: {  	[bflag:$0x3] =	sbarrier.arrive $0xFFFF  }
0x38: {  	_ =	shalt  }

// kernel: kernel.9.cloned.1.call-start
scs
__scs_entry_jumppad:
0x0: {  	(pc) =	sbr.rel $0x88, $3  }
0x1: {  	(tag) =	ssettag $0x0;
	lr =	simm.s32 $0x1  }
0x2: {  	[smem:$0x3F9B] =	sst lr;
	_ =	strace $0xD0000000  }
0x3: {  	_ = 	snop  }
0x4: {  	_ = 	snop  }
0x5: {  	_ = 	snop  }
0x6: {  	_ = 	snop  }
0x7: {  	_ = 	snop  }
__scs_overlays_trampoline_lowered:
0x8: {  	[smem:$0x3FAA] =	sst s0  }
0x9: {  	[smem:$0x3FAB] =	sst s1  }
0xa: {  	[smem:$0x3FAC] =	sst s2  }
0xb: {  	[smem:$0x3FAD] =	sst s3  }
0xc: {  	[smem:$0x3FAE] =	sst s4  }
0xd: {  	[smem:$0x3FAF] =	sst s5  }
0xe: {  	[smem:$0x3FB0] =	sst s6  }
0xf: {  	[smem:$0x3FB1] =	sst s7  }
0x10: {  	[smem:$0x3FB2] =	sst s8  }
0x11: {  	[smem:$0x3FB3] =	sst s9;
	s0 =	simm.s32 @!p0 $0x0  }
0x12: {  	s1 =	sld [smem:$0x3F99];
	s0 =	simm.s32 @p0 $0x1  }
0x13: {  	[smem:$0x3FB4] =	sst s0;
	s0 =	simm.s32 @!p1 $0x0  }
0x14: {  	s2 =	sld [smem:$0x3F98];
	s0 =	simm.s32 @p1 $0x1  }
0x15: {  	[smem:$0x3FB5] =	sst s0;
	s0 =	simm.s32 @!p2 $0x0  }
0x16: {  	s3 =	sld [smem:$0x3FDB];
	s0 =	simm.s32 @p2 $0x1  }
0x17: {  	s4 =	simm.s32 $0x1BF5;
	[smem:$0x3FB7] =	sst s0  }
0x18: {  	s0 =	sld [smem:$0x3F9A];
	_ =	swait.ge [sflag:s4], $0x0  }
0x19: {  	s7 =	sld [smem:$0x3F9B]  }
0x1a: {  	s8 =	sadd.s32 $0xFFFFE003, lr  }
0x1b: {  	s9 =	sadd.s32 $0xFFFFFEF7, lr;
	s5 =	simm.s32 $0xFFFFFFFF;
	p2 =	slt.u32 s8, $0xFFFFF086  }
0x1c: {  	p1 =	slt.u32 s9, $0xF7A;
	s5 =	simm.s32 @!p2 $0x0  }
0x1d: {  	s5 =	simm.s32 @p1 $0x1;
	p0 =	seq.s32 s7, s2  }
0x1e: {  	s7 =	smul.u32 @!p0 $0xF7A, s2;
	p2 =	seq.s32 @!p0 s5, $0x0  }
0x1f: {  	s9 =	smul.u32 $0xF7A, s1;
	s8 =	simm.s32 @!p0 $0x1BF5;
	p2 =	por !p2, p0  }
0x20: {  	[sflag:s8] =	ssyncset.s32 @!p0 $0xFFFFF086;
	s6 =	sadd.s32 @!p0 s3, s7;
	s7 =	simm.s32 @!p0 $0x108  }
0x21: {  	s3 =	sadd.s32 s3, s9;
	s6 =	sadd.s32 @!p0 $0x88, s6;
	s7 =	simm.s32 @p2 $0x1082  }
0x22: {  	[simem:s7], [sflag:s8] =	dma.local @!p0 [hbm:s6], $0xF7A  }
0x23: {  	s9 =	sor.u32 $0xD0000000, s2;
	s6 =	simm.s32 $0x108;
	_ =	swait.ge @!p0 [sflag:s8], $0x0  }
0x24: {  	s3 =	sadd.s32 $0x88, s3;
	s6 =	simm.s32 @!p1 $0x1082;
	[sflag:s4] =	ssyncset.s32 $0xFFFFF086  }
0x25: {  	[simem:s6], [sflag:s4] =	dma.local [hbm:s3], $0xF7A  }
0x26: {  	[smem:$0x3F9B] =	sst s1;
	(tag) =	ssettag s2;
	_ =	strace s9  }
0x27: {  	s1 =	sld [smem:$0x3FAB]  }
0x28: {  	s2 =	sld [smem:$0x3FAC]  }
0x29: {  	s4 =	sld [smem:$0x3FAE]  }
0x2a: {  	p0 =	seq.s32 s5, $0x0;
	s5 =	sld [smem:$0x3FAF]  }
0x2b: {  	s6 =	sld [smem:$0x3FB0]  }
0x2c: {  	s7 =	sld [smem:$0x3FB1]  }
0x2d: {  	s3 =	simm.s32 $0x108;
	s8 =	sld [smem:$0x3FB2]  }
0x2e: {  	s3 =	simm.s32 @!p0 $0x1082;
	s9 =	sld [smem:$0x3FB3]  }
0x2f: {  	lr =	sadd.s32 s0, s3;
	s0 =	sld [smem:$0x3FAA]  }
0x30: {  	s3 =	sld [smem:$0x3FAD]  }
0x31: {  	[smem:$0x3FB6] =	sst s10  }
0x32: {  	s10 =	sld [smem:$0x3FB4];
	_ =	sdelay $0x3  }
0x33: {  	p0 =	seq.s32 s10, $0x1;
	s10 =	sld [smem:$0x3FB6];
	_ =	sdelay $0x3  }
0x34: {  	[smem:$0x3FB6] =	sst s10  }
0x35: {  	s10 =	sld [smem:$0x3FB5];
	_ =	sdelay $0x3  }
0x36: {  	p1 =	seq.s32 s10, $0x1;
	s10 =	sld [smem:$0x3FB6];
	_ =	sdelay $0x3  }
0x37: {  	[smem:$0x3FB6] =	sst s10  }
0x38: {  	s10 =	sld [smem:$0x3FB7]  }
0x39: {  	_ = 	snop;
	(pc) =	sbr.ind lr, $3  }
0x3a: {  	_ = 	snop  }
0x3b: {  	_ = 	snop  }
0x3c: {  	p2 =	seq.s32 s10, $0x1;
	s10 =	sld [smem:$0x3FB6]  }
0x3d: {  	_ =	shalt  }
0x3e: {  	_ =	shalt  }
0x3f: {  	_ =	shalt  }
0x40: {  	_ =	shalt  }
0x41: {  	_ =	shalt  }
0x42: {  	_ =	shalt  }
0x43: {  	_ =	shalt  }
0x44: {  	_ =	shalt  }
0x45: {  	_ =	shalt  }
0x46: {  	_ =	shalt  }
0x47: {  	_ =	shalt  }
0x48: {  	_ =	shalt  }
0x49: {  	_ =	shalt  }
0x4a: {  	_ =	shalt  }
0x4b: {  	_ =	shalt  }
0x4c: {  	_ =	shalt  }
0x4d: {  	_ =	shalt  }
0x4e: {  	_ =	shalt  }
0x4f: {  	_ =	shalt  }
0x50: {  	_ =	shalt  }
0x51: {  	_ =	shalt  }
0x52: {  	_ =	shalt  }
0x53: {  	_ =	shalt  }
0x54: {  	_ =	shalt  }
0x55: {  	_ =	shalt  }
0x56: {  	_ =	shalt  }
0x57: {  	_ =	shalt  }
0x58: {  	_ =	shalt  }
0x59: {  	_ =	shalt  }
0x5a: {  	_ =	shalt  }
0x5b: {  	_ =	shalt  }
0x5c: {  	_ =	shalt  }
0x5d: {  	_ =	shalt  }
0x5e: {  	_ =	shalt  }
0x5f: {  	_ =	shalt  }
0x60: {  	_ =	shalt  }
0x61: {  	_ =	shalt  }
0x62: {  	_ =	shalt  }
0x63: {  	_ =	shalt  }
0x64: {  	_ =	shalt  }
0x65: {  	_ =	shalt  }
0x66: {  	_ =	shalt  }
0x67: {  	_ =	shalt  }
0x68: {  	_ =	shalt  }
0x69: {  	_ =	shalt  }
0x6a: {  	_ =	shalt  }
0x6b: {  	_ =	shalt  }
0x6c: {  	_ =	shalt  }
0x6d: {  	_ =	shalt  }
0x6e: {  	_ =	shalt  }
0x6f: {  	_ =	shalt  }
0x70: {  	_ =	shalt  }
0x71: {  	_ =	shalt  }
0x72: {  	_ =	shalt  }
0x73: {  	_ =	shalt  }
0x74: {  	_ =	shalt  }
0x75: {  	_ =	shalt  }
0x76: {  	_ =	shalt  }
0x77: {  	_ =	shalt  }
0x78: {  	_ =	shalt  }
0x79: {  	_ =	shalt  }
0x7a: {  	_ =	shalt  }
0x7b: {  	_ =	shalt  }
0x7c: {  	_ =	shalt  }
0x7d: {  	_ =	shalt  }
0x7e: {  	_ =	shalt  }
0x7f: {  	_ =	shalt  }
0x80: {  	_ =	shalt  }
0x81: {  	_ =	shalt  }
0x82: {  	_ =	shalt  }
0x83: {  	_ =	shalt  }
0x84: {  	_ =	shalt  }
0x85: {  	_ =	shalt  }
0x86: {  	_ =	shalt  }
0x87: {  	_ =	shalt  }
.Lfunc_end0:
.L_simem_size_0:
called_computation.1_lowered:
.L_overlay_start_0:
0x88: {  	s2 =	sld [smem:$0x3FD9]  }
0x89: {  	s3 =	sld [smem:$0x3FFE];
	_ =	sdelay $0x1  }
0x8a: {  	s1 =	srdreg.scid  }
0x8b: {  	s0 =	sand.u32 $0x1, s1  }
0x8c: {  	s14 =	sshll.u32 s0, $0xA;
	s2 =	sadd.s32 s3, s2  }
0x8d: {  	s2 =	sadd.s32 s2, s14  }
0x8e: {  	[smem:$0x3FC2] =	sst s2  }
0x8f: {  	_ = 	snop  }
0x90: {  	s2 =	sld [smem:$0x3FD0];
	_ =	sdelay $0x2  }
0x91: {  	s15 =	simm.s32 $0xA;
	s4 =	simm.s32 $0x10  }
0x92: {  	[smem:s4], [sflag:s15] =	dma.local [hbm:s2], $0x1  }
0x93: {  	_ =	swait.eq [sflag:s15], $0x1  }
0x94: {  	[sflag:s15] =	ssyncset.done $0x0  }
0x95: {  	[sflag:s15] =	ssyncadd.s32 $0xFFFFFFFF  }
0x96: {  	s16 =	sld [smem:$0x11];
	(tm) =	ssettm $0x1  }
0x97: {  	s17 =	sld [smem:$0x3FFB];
	_ =	sdelay $0x3  }
0x98: {  	_ =	strace s17  }
0x99: {  	s3 =	sld [smem:$0x3FFC];
	_ =	sdelay $0x3  }
0x9a: {  	_ =	strace s3  }
0x9b: {  	s3 =	sld [smem:$0x3FFD];
	_ =	sdelay $0x3  }
0x9c: {  	_ =	strace s3  }
0x9d: {  	_ =	strace $0x8FFFFFFF  }
0x9e: {  	s18 =	sld [smem:$0x3FDB];
	_ =	sdelay $0x1  }
0x9f: {  	s19 =	simm.s32 $_scs_section_size  }
0xa0: {  	s5 =	simm.s32 $_size__tile_overlayer_lowered;
	s6 =	simm.s32 $_tile_overlayer_lowered  }
0xa1: {  	s22 =	simm.s32 $0x1BFF;
	s21 =	sshll.u32 s6, $0x1;
	s3 =	sadd.s32 s19, s18  }
0xa2: {  	s7 =	simm.s32 $0x0;
	s20 =	sshll.u32 s5, $0x1;
	s5 =	sadd.s32 s21, s3  }
0xa3: {  	[timem:s7], [sflag:s22] =	dma.local [hbm:s5], s20  }
0xa4: {  	_ =	swait.ge [sflag:s22], s20  }
0xa5: {  	s4 =	ssub.s32 $0x0, s20;
	[sflag:s22] =	ssyncset.done $0x0  }
0xa6: {  	[sflag:s22] =	ssyncadd.s32 s4;
	_ =	sdelay $0x1  }
0xa7: {  	s23 =	simm.s32 $0x1B8B  }
0xa8: {  	_ =	swait.ge [sflag:s23], $0x1  }
0xa9: {  	[sflag:s23] =	ssyncset.done $0x0  }
0xaa: {  	s25 =	simm.s32 $0x1B8E;
	s24 =	sld [smem:$0x3FFE];
	[sflag:s23] =	ssyncadd.s32 $0xFFFFFFFF  }
0xab: {  	s26 =	simm.s32 $execute0_lowered;
	[smem:$0x3FD2] =	sst s25  }
0xac: {  	s5 =	sshll.u32 s26, $0x1;
	_ =	strace $0x80000049;
	[dreg:$0x1] =	wrdreg $0xFFFFFFFF  }
0xad: {  	s28 =	simm.s32 $_size_execute0_lowered;
	s3 =	sadd.s32 s3, s5;
	[dreg:$0x0] =	wrdreg $0x0  }
0xae: {  	s5 =	sshll.u32 s28, $0x1;
	[dreg:$0x2] =	wrdreg s3  }
0xaf: {  	[dreg:$0x3] =	wrdreg s5  }
0xb0: {  	[dreg:$0x4] =	wrdreg $0xC0  }
0xb1: {  	_ =	task [dreg:s7], $0x5FFFF  }
0xb2: {  	[dreg:$0x1] =	wrdreg $0xFFFFFFFF  }
0xb3: {  	[dreg:$0x0] =	wrdreg $0x60  }
0xb4: {  	[dreg:$0x2] =	wrdreg s24  }
0xb5: {  	[dreg:$0x3] =	wrdreg s16  }
0xb6: {  	[dreg:$0x4] =	wrdreg $0xB9800  }
0xb7: {  	[dreg:$0x5] =	wrdreg $0x9  }
0xb8: {  	_ =	task.clear_ibuf [dreg:s7], $0x6FFFF;
	_ =	strace $0x90000049  }
0xb9: {  	s29 =	simm.s32 $0x9;
	_ =	strace $0x8000004B  }
0xba: {  	_ =	swait.ge [sflag:s29], $0x1  }
0xbb: {  	[sflag:s29] =	ssyncadd.s32 $0xFFFFFFFF  }
0xbc: {  	_ =	strace $0x9000004B  }
0xbd: {  	_ =	sfence  }
0xbe: {  	s30 =	sld [smem:$0x0];
	_ =	sdelay $0x2  }
0xbf: {  	s31 =	sshll.u32 s1, $0xD;
	s1 =	sshrl.u32 s1, $0x2  }
0xc0: {  	s3 =	sand.u32 $0x4000, s31;
	s1 =	sadd.s32 s1, s30  }
0xc1: {  	s0 =	sor.u32 s3, s0;
	s1 =	sshll.u32 s1, $0x11  }
0xc2: {  	s0 =	sor.u32 s1, s0  }
0xc3: {  	s0 =	sadd.s32 $0x8F2B, s0  }
0xc4: {  	[sflag:s0] =	ssyncadd.remote.s32 $0x1  }
0xc5: {  	_ =	sfence.sel $0xFFFF  }
0xc6: {  	[dreg:$0x0] =	wrdreg $0xFFFFFFFF;
	(pc) =	sbr.abs _section_cstart, $3  }
0xc7: {  	[dreg:$0x1] =	wrdreg $0xFFFFFFFF  }
0xc8: {  	_ =	task.clear_ibuf [dreg:s7], $0x2FFFF;
	_ =	strace $0x9FFFFFFF  }
0xc9: {  	(tm) =	ssettm $0x7FFFFFFF  }
tec
execute0_lowered:
.L_overlay_start_1:
0x0: {  	(tag) =	ssettag $0x1  }
0x1: {  	s0 =	rddreg [dreg:$0x0]  }
0x2: {  	s1 =	rddreg [dreg:$0x1]  }
0x3: {  	s2 =	rddreg [dreg:$0x2];
	s11 =	stileid.u32  }
0x4: {  	s4 =	srdreg.scid;
	s3 =	simm.s32 $0x0;
	s8 =	smul.u32 $0x50000, s11  }
0x5: {  	s28 =	simm.s32 $0x2780;
	s29 =	simm.s32 $0x60;
	s20 =	smul.u32 $0x14000, s11  }
0x6: {  	s30 =	simm.s32 $0x2980;
	s5 =	sand.u32 $0x1, s4;
	s17 =	smul.u32 $0x4E20, s11  }
0x7: {  	s18 =	sshll.u32 s11, $0x1;
	[smem:$0x7FF] =	sst s3;
	s26 =	smul.u32 $0x140000, s5  }
0x8: {  	s4 =	sor.u32 s5, s18;
	s7 =	ssub.s32 $0x2, s5;
	s5 =	smul.u32 $0x2710, s5  }
0x9: {  	s31 =	simm.s32 $0x2800;
	_ =	strace $0x8000004A;
	s6 =	smul.u32 $0x2710, s4  }
0xa: {  	s4 =	sadd.s32 $0x2000, s0;
	s0 =	sadd.s32 $0x2A000, s0;
	s9 =	sshrl.u32 s7, $0x1  }
0xb: {  	s19 =	sshrl.u32 s8, $0x2;
	s24 =	sadd.s32 $0x9000, s20;
	s16 =	sadd.s32 $0x12000, s20  }
0xc: {  	s9 =	ssub.s32 s7, s9;
	s7 =	sadd.s32 s19, s2;
	s25 =	sadd.s32 s24, s2  }
0xd: {  	s8 =	sadd.s32 s20, s26;
	s20 =	sadd.s32 s5, s17;
	s17 =	simm.s32 $0x8  }
0xe: {  	s6 =	sshrl.u32 s6, $0x3;
	s23 =	sadd.s32 $0x3000, s7;
	[dreg:$0x9] =	wrdreg s25  }
0xf: {  	s10 =	sadd.s32 $0x6000, s7;
	s12 =	sadd.s32 $0xC000, s7;
	[dreg:$0x7] =	wrdreg s23  }
0x10: {  	s14 =	sadd.s32 $0xF000, s7;
	s8 =	sshrl.u32 s8, $0x3;
	[dreg:$0x8] =	wrdreg s10  }
0x11: {  	s19 =	smax.u32 s9, $0x1;
	s9 =	simm.s32 $0x2880;
	[dreg:$0xa] =	wrdreg s12  }
0x12: {  	s15 =	sadd.s32 s1, s6;
	[dreg:$0xb] =	wrdreg s14;
	s14 =	sadd.s32 s16, s2  }
0x13: {  	s6 =	sadd.s32 s26, s24;
	s10 =	sadd.s32 s26, s16;
	s8 =	sadd.s32 s0, s8  }
0x14: {  	[dreg:$0x10] =	wrdreg s19;
	s23 =	sadd.s32 $0x4E4A0, s20;
	s24 =	sadd.s32 $0x4E440, s20  }
0x15: {  	s12 =	simm.s32 $0x2;
	s16 =	simm.s32 $0x3;
	s21 =	sadd.s32 $0x9C40, s15  }
0x16: {  	s22 =	sadd.s32 $0x9C4C, s15;
	s13 =	sadd.s32 $0xA120, s15;
	[dreg:$0xd] =	wrdreg s8  }
0x17: {  	s6 =	sshrl.u32 s6, $0x3;
	s18 =	sshrl.u32 s10, $0x3;
	[dreg:$0x4] =	wrdreg s15  }
0x18: {  	s5 =	sshrl.u32 s23, $0x3;
	s25 =	sshrl.u32 s24, $0x3;
	[dreg:$0x5] =	wrdreg s21  }
0x19: {  	s26 =	sadd.s32 $0x9C70, s15;
	s8 =	simm.s32 $0x1;
	[dreg:$0x6] =	wrdreg s22  }
0x1a: {  	s10 =	simm.s32 $0x5;
	[dreg:$0xc] =	wrdreg s13;
	s6 =	sadd.s32 s0, s6  }
0x1b: {  	s0 =	sadd.s32 s0, s18;
	s21 =	sadd.s32 $0x9C58, s15;
	[dreg:$0x13] =	wrdreg s26  }
0x1c: {  	s22 =	sadd.s32 $0x9C64, s15;
	s23 =	sadd.s32 s25, s1;
	[dreg:$0xe] =	wrdreg s6  }
0x1d: {  	s26 =	simm.s32 $0xA;
	s13 =	simm.s32 $0x7;
	[dreg:$0xf] =	wrdreg s0  }
0x1e: {  	s15 =	simm.s32 $0x6;
	s18 =	simm.s32 $0x9;
	[dreg:$0x11] =	wrdreg s21  }
0x1f: {  	[dreg:$0x12] =	wrdreg s22;
	s0 =	sadd.s32 $0x4E3E0, s20;
	s22 =	sadd.s32 s5, s1  }
0x20: {  	s6 =	simm.s32 $0x4;
	s21 =	simm.s32 $0x0;
	s0 =	sshrl.u32 s0, $0x3  }
0x21: {  	v0 =	vimm.f32 $0.0e+00;
	s24 =	sadd.s32 s0, s1;
	s0 =	simm.s32 $0x5980;
	s1 =	simm.s32 $0x8980  }
.LBB2_1:
0x22: {  	s5 =	rddreg [dreg:$0x4]  }
0x23: {  	[tilespmem:s3], [sflag:$0xA] =	stream.linear.gather [hbm4b:s5+s3], $0x2710, $0x38;
	[tilespmem:$0x1F980] =	vst v63  }
0x24: {  	_ =	swait.ge [sflag:s26], $0x2710  }
0x25: {  	[sflag:s26] =	ssyncset.done $0x0  }
0x26: {  	s19 =	rddreg [dreg:$0x5];
	[sflag:s26] =	ssyncadd.s32 $0xFFFFD8F0  }
0x27: {  	[tilespmem:s28], [sflag:$0x4] =	stream.linear.gather [hbm4b:s19+s3], $0x60, $0x38;
	[tilespmem:$0x1F980] =	vst v63  }
0x28: {  	_ = 	snop  }
0x29: {  	[tilespmem:s30], [sflag:$0x1] =	stream.indirect.gather [hbm4b:s4+s29], $0x80, s3, s29, $0xb8;
	[tilespmem:$0x1F980] =	vst v63  }
0x2a: {  	s25 =	sand.u32 $0xFE00, s3;
	s20 =	rddreg [dreg:$0x6]  }
0x2b: {  	[tilespmem:s31], [sflag:$0x5] =	stream.linear.gather [hbm4b:s20+s3], $0x60, $0x38;
	[tilespmem:$0x1F980] =	vst v63  }
0x2c: {  	s19 =	sand.u32 $0x70, s3;
	s20 =	sshrl.u32 s25, $0x2  }
0x2d: {  	s5 =	simm.s32 $0x40;
	s20 =	sor.u32 s19, s20;
	s19 =	simm.s32 $0x0  }
0x2e: {  	[tilespmem:s0], [sflag:$0x2] =	stream.indirect.gather [hbm4b:s4+s29], $0x80, s29, s29, $0xb8;
	[tilespmem:$0x1F980] =	vst v63  }
.LBB2_2:
0x2f: {  	p0 =	sne.s32 s5, $0xBFC0  }
0x30: {  	[tilespmem:s20+$0x8980] =	vst v0;
	s19 =	sadd.s32 $0x10, s19;
	s20 =	smov.u32 s5;
	s5 =	sadd.s32 $0x40, s5  }
.Ltmp0:
0x31: {  	(pc) =	sbr.rel @p0 .LBB2_2-.Ltmp0, $4  }
0x32: {  	_ = 	snop  }
0x33: {  	s20 =	sand.u32 $0xFE00, s20  }
0x34: {  	s25 =	sand.u32 $0x70, s19;
	s20 =	sshrl.u32 s20, $0x2  }
0x35: {  	s20 =	sor.u32 s25, s20  }
0x36: {  	[tilespmem:s20+$0x8980] =	vst v0  }
0x37: {  	[spmem:s7] =	stream.linear.scatter [tilespmem:s1], [sflag:$0xA], $0x3000, $0x38;
	[tilespmem:$0x1F980] =	vst v63  }
0x38: {  	_ =	swait.ge [sflag:s26], $0x3000  }
0x39: {  	[sflag:s26] =	ssyncset.done $0x0  }
0x3a: {  	s5 =	rddreg [dreg:$0x7];
	[sflag:s26] =	ssyncadd.s32 $0xFFFFD000  }
0x3b: {  	[spmem:s5] =	stream.linear.scatter [tilespmem:s1], [sflag:$0xA], $0x3000, $0x38;
	[tilespmem:$0x1F980] =	vst v63  }
0x3c: {  	_ =	swait.ge [sflag:s26], $0x3000  }
0x3d: {  	[sflag:s26] =	ssyncset.done $0x0  }
0x3e: {  	s19 =	rddreg [dreg:$0x8];
	[sflag:s26] =	ssyncadd.s32 $0xFFFFD000  }
0x3f: {  	[spmem:s19] =	stream.linear.scatter [tilespmem:s1], [sflag:$0xA], $0x3000, $0x38;
	[tilespmem:$0x1F980] =	vst v63  }
0x40: {  	_ =	swait.ge [sflag:s26], $0x3000  }
0x41: {  	[sflag:s26] =	ssyncset.done $0x0  }
0x42: {  	s20 =	rddreg [dreg:$0x9];
	[sflag:s26] =	ssyncadd.s32 $0xFFFFD000  }
0x43: {  	[spmem:s20] =	stream.linear.scatter [tilespmem:s1], [sflag:$0xA], $0x3000, $0x38;
	[tilespmem:$0x1F980] =	vst v63  }
0x44: {  	_ =	swait.ge [sflag:s26], $0x3000  }
0x45: {  	[sflag:s26] =	ssyncset.done $0x0  }
0x46: {  	s25 =	rddreg [dreg:$0xa];
	[sflag:s26] =	ssyncadd.s32 $0xFFFFD000  }
0x47: {  	[spmem:s25] =	stream.linear.scatter [tilespmem:s1], [sflag:$0xA], $0x3000, $0x38;
	[tilespmem:$0x1F980] =	vst v63  }
0x48: {  	_ =	swait.ge [sflag:s26], $0x3000  }
0x49: {  	[sflag:s26] =	ssyncset.done $0x0  }
0x4a: {  	s11 =	rddreg [dreg:$0xb];
	[sflag:s26] =	ssyncadd.s32 $0xFFFFD000  }
0x4b: {  	[spmem:s11] =	stream.linear.scatter [tilespmem:s1], [sflag:$0xA], $0x3000, $0x38;
	[tilespmem:$0x1F980] =	vst v63  }
0x4c: {  	_ =	swait.ge [sflag:s26], $0x3000  }
0x4d: {  	[sflag:s26] =	ssyncset.done $0x0  }
0x4e: {  	[sflag:s26] =	ssyncadd.s32 $0xFFFFD000  }
0x4f: {  	[spmem:s14] =	stream.linear.scatter [tilespmem:s1], [sflag:$0xA], $0x2000, $0x38;
	[tilespmem:$0x1F980] =	vst v63  }
0x50: {  	_ =	swait.ge [sflag:s26], $0x2000  }
0x51: {  	[sflag:s26] =	ssyncset.done $0x0  }
0x52: {  	[sflag:s26] =	ssyncadd.s32 $0xFFFFE000  }
0x53: {  	[bflag:$0x0] =	sbarrier.arrive $0xFFFF  }
0x54: {  	_ =	swait.ge [sflag:s6], $0x60  }
0x55: {  	[sflag:s6] =	ssyncset.done $0x0  }
0x56: {  	[sflag:s6] =	ssyncadd.s32 $0xFFFFFFA0  }
0x57: {  	_ =	swait.ge [sflag:s8], $0x3000  }
0x58: {  	[sflag:s8] =	ssyncset.done $0x0  }
0x59: {  	[sflag:s8] =	ssyncadd.s32 $0xFFFFD000  }
0x5a: {  	[spmem:s2] =	stream.indirect.scatter.add.f32 [tilespmem:s30], [sflag:$0x7], $0x80, s28, s29, $0xb8;
	[tilespmem:$0x1F980] =	vst v63  }
0x5b: {  	s5 =	simm.s32 $0x0;
	s11 =	rddreg [dreg:$0x11]  }
0x5c: {  	[tilespmem:s9], [sflag:$0x6] =	stream.linear.gather [hbm4b:s11+s5], $0x60, $0x38;
	[tilespmem:$0x1F980] =	vst v63  }
0x5d: {  	s19 =	simm.s32 $0xC0  }
0x5e: {  	[tilespmem:s1], [sflag:$0x3] =	stream.indirect.gather [hbm4b:s4+s29], $0x80, s19, s29, $0xb8;
	[tilespmem:$0x1F980] =	vst v63  }
0x5f: {  	_ =	swait.ge [sflag:s10], $0x60  }
0x60: {  	[sflag:s10] =	ssyncset.done $0x0  }
0x61: {  	[sflag:s10] =	ssyncadd.s32 $0xFFFFFFA0  }
0x62: {  	_ =	swait.ge [sflag:s12], $0x3000  }
0x63: {  	[sflag:s12] =	ssyncset.done $0x0  }
0x64: {  	[sflag:s12] =	ssyncadd.s32 $0xFFFFD000  }
0x65: {  	[spmem:s2] =	stream.indirect.scatter.add.f32 [tilespmem:s0], [sflag:$0x8], $0x80, s31, s29, $0xb8;
	[tilespmem:$0x1F980] =	vst v63  }
0x66: {  	_ =	swait.ge [sflag:s13], $0x3000  }
0x67: {  	[sflag:s13] =	ssyncset.done $0x0  }
0x68: {  	s20 =	rddreg [dreg:$0x12];
	[sflag:s13] =	ssyncadd.s32 $0xFFFFD000  }
0x69: {  	[tilespmem:s28], [sflag:$0x4] =	stream.linear.gather [hbm4b:s20+s5], $0x60, $0x38;
	[tilespmem:$0x1F980] =	vst v63  }
0x6a: {  	s25 =	simm.s32 $0x120  }
0x6b: {  	[tilespmem:s30], [sflag:$0x1] =	stream.indirect.gather [hbm4b:s4+s29], $0x80, s25, s29, $0xb8;
	[tilespmem:$0x1F980] =	vst v63  }
0x6c: {  	_ =	swait.ge [sflag:s15], $0x60  }
0x6d: {  	[sflag:s15] =	ssyncset.done $0x0  }
0x6e: {  	[sflag:s15] =	ssyncadd.s32 $0xFFFFFFA0  }
0x6f: {  	_ =	swait.ge [sflag:s16], $0x3000  }
0x70: {  	[sflag:s16] =	ssyncset.done $0x0  }
0x71: {  	[sflag:s16] =	ssyncadd.s32 $0xFFFFD000  }
0x72: {  	[spmem:s2] =	stream.indirect.scatter.add.f32 [tilespmem:s1], [sflag:$0x9], $0x80, s9, s29, $0xb8;
	[tilespmem:$0x1F980] =	vst v63  }
0x73: {  	_ =	swait.ge [sflag:s17], $0x3000  }
0x74: {  	[sflag:s17] =	ssyncset.done $0x0  }
0x75: {  	s19 =	rddreg [dreg:$0x13];
	[sflag:s17] =	ssyncadd.s32 $0xFFFFD000  }
0x76: {  	[tilespmem:s31], [sflag:$0x5] =	stream.linear.gather [hbm4b:s19+s5], $0x60, $0x38;
	[tilespmem:$0x1F980] =	vst v63  }
0x77: {  	s20 =	simm.s32 $0x180  }
0x78: {  	[tilespmem:s0], [sflag:$0x2] =	stream.indirect.gather [hbm4b:s4+s29], $0x80, s20, s29, $0xb8;
	[tilespmem:$0x1F980] =	vst v63  }
0x79: {  	_ =	swait.ge [sflag:s6], $0x60  }
0x7a: {  	[sflag:s6] =	ssyncset.done $0x0  }
0x7b: {  	[sflag:s6] =	ssyncadd.s32 $0xFFFFFFA0  }
0x7c: {  	_ =	swait.ge [sflag:s8], $0x3000  }
0x7d: {  	[sflag:s8] =	ssyncset.done $0x0  }
0x7e: {  	[sflag:s8] =	ssyncadd.s32 $0xFFFFD000  }
0x7f: {  	[spmem:s2] =	stream.indirect.scatter.add.f32 [tilespmem:s30], [sflag:$0x7], $0x80, s28, s29, $0xb8;
	[tilespmem:$0x1F980] =	vst v63  }
0x80: {  	_ =	swait.ge [sflag:s18], $0x3000  }
0x81: {  	[sflag:s18] =	ssyncset.done $0x0  }
0x82: {  	s25 =	sadd.s32 $0x0, s24;
	[sflag:s18] =	ssyncadd.s32 $0xFFFFD000  }
0x83: {  	[tilespmem:s9], [sflag:$0x6] =	stream.linear.gather [hbm4b:s25+s3], $0x60, $0x38;
	[tilespmem:$0x1F980] =	vst v63  }
0x84: {  	s11 =	simm.s32 $0x1E0  }
0x85: {  	[tilespmem:s1], [sflag:$0x3] =	stream.indirect.gather [hbm4b:s4+s29], $0x80, s11, s29, $0xb8;
	[tilespmem:$0x1F980] =	vst v63  }
0x86: {  	_ =	swait.ge [sflag:s10], $0x60  }
0x87: {  	[sflag:s10] =	ssyncset.done $0x0  }
0x88: {  	[sflag:s10] =	ssyncadd.s32 $0xFFFFFFA0  }
0x89: {  	_ =	swait.ge [sflag:s12], $0x3000  }
0x8a: {  	[sflag:s12] =	ssyncset.done $0x0  }
0x8b: {  	[sflag:s12] =	ssyncadd.s32 $0xFFFFD000  }
0x8c: {  	[spmem:s2] =	stream.indirect.scatter.add.f32 [tilespmem:s0], [sflag:$0x8], $0x80, s31, s29, $0xb8;
	[tilespmem:$0x1F980] =	vst v63  }
0x8d: {  	_ =	swait.ge [sflag:s13], $0x3000  }
0x8e: {  	[sflag:s13] =	ssyncset.done $0x0  }
0x8f: {  	s19 =	sadd.s32 $0x0, s23;
	[sflag:s13] =	ssyncadd.s32 $0xFFFFD000  }
0x90: {  	[tilespmem:s28], [sflag:$0x4] =	stream.linear.gather [hbm4b:s19+s3], $0x60, $0x38;
	[tilespmem:$0x1F980] =	vst v63  }
0x91: {  	s20 =	simm.s32 $0x240  }
0x92: {  	[tilespmem:s30], [sflag:$0x1] =	stream.indirect.gather [hbm4b:s4+s29], $0x80, s20, s29, $0xb8;
	[tilespmem:$0x1F980] =	vst v63  }
0x93: {  	_ =	swait.ge [sflag:s15], $0x60  }
0x94: {  	[sflag:s15] =	ssyncset.done $0x0  }
0x95: {  	[sflag:s15] =	ssyncadd.s32 $0xFFFFFFA0  }
0x96: {  	_ =	swait.ge [sflag:s16], $0x3000  }
0x97: {  	[sflag:s16] =	ssyncset.done $0x0  }
0x98: {  	[sflag:s16] =	ssyncadd.s32 $0xFFFFD000  }
0x99: {  	[spmem:s2] =	stream.indirect.scatter.add.f32 [tilespmem:s1], [sflag:$0x9], $0x80, s9, s29, $0xb8;
	[tilespmem:$0x1F980] =	vst v63  }
0x9a: {  	_ =	swait.ge [sflag:s17], $0x3000  }
0x9b: {  	[sflag:s17] =	ssyncset.done $0x0  }
0x9c: {  	s25 =	sadd.s32 $0x0, s22;
	[sflag:s17] =	ssyncadd.s32 $0xFFFFD000  }
0x9d: {  	[tilespmem:s31], [sflag:$0x5] =	stream.linear.gather [hbm4b:s25+s3], $0x60, $0x38;
	[tilespmem:$0x1F980] =	vst v63  }
0x9e: {  	s5 =	simm.s32 $0x3C0;
	s19 =	simm.s32 $0x24;
	s25 =	simm.s32 $0x2A0  }
.LBB2_4:
0x9f: {  	[tilespmem:s0], [sflag:$0x2] =	stream.indirect.gather [hbm4b:s4+s29], $0x80, s25, s29, $0xb8;
	[tilespmem:$0x1F980] =	vst v63  }
0xa0: {  	s20 =	smov.u32 s19;
	s25 =	smov.u32 s5  }
0xa1: {  	p0 =	sne.s32 s19, $0x480;
	s19 =	sadd.s32 $0x24, s19;
	_ =	swait.ge [sflag:s6], $0x60  }
0xa2: {  	[sflag:s6] =	ssyncset.done $0x0  }
0xa3: {  	[sflag:s6] =	ssyncadd.s32 $0xFFFFFFA0  }
0xa4: {  	_ =	swait.ge [sflag:s8], $0x3000  }
0xa5: {  	[sflag:s8] =	ssyncset.done $0x0  }
0xa6: {  	[sflag:s8] =	ssyncadd.s32 $0xFFFFD000  }
0xa7: {  	[spmem:s2] =	stream.indirect.scatter.add.f32 [tilespmem:s30], [sflag:$0x7], $0x80, s28, s29, $0xb8;
	[tilespmem:$0x1F980] =	vst v63  }
0xa8: {  	_ =	swait.ge [sflag:s18], $0x3000  }
0xa9: {  	[sflag:s18] =	ssyncset.done $0x0  }
0xaa: {  	s11 =	sadd.s32 s20, s24;
	[sflag:s18] =	ssyncadd.s32 $0xFFFFD000  }
0xab: {  	[tilespmem:s9], [sflag:$0x6] =	stream.linear.gather [hbm4b:s11+s3], $0x60, $0x38;
	[tilespmem:$0x1F980] =	vst v63  }
0xac: {  	s11 =	sadd.s32 $0xFFFFFF40, s5  }
0xad: {  	[tilespmem:s1], [sflag:$0x3] =	stream.indirect.gather [hbm4b:s4+s29], $0x80, s11, s29, $0xb8;
	[tilespmem:$0x1F980] =	vst v63  }
0xae: {  	_ =	swait.ge [sflag:s10], $0x60  }
0xaf: {  	[sflag:s10] =	ssyncset.done $0x0  }
0xb0: {  	[sflag:s10] =	ssyncadd.s32 $0xFFFFFFA0  }
0xb1: {  	_ =	swait.ge [sflag:s12], $0x3000  }
0xb2: {  	[sflag:s12] =	ssyncset.done $0x0  }
0xb3: {  	[sflag:s12] =	ssyncadd.s32 $0xFFFFD000  }
0xb4: {  	[spmem:s2] =	stream.indirect.scatter.add.f32 [tilespmem:s0], [sflag:$0x8], $0x80, s31, s29, $0xb8;
	[tilespmem:$0x1F980] =	vst v63  }
0xb5: {  	_ =	swait.ge [sflag:s13], $0x3000  }
0xb6: {  	[sflag:s13] =	ssyncset.done $0x0  }
0xb7: {  	s11 =	sadd.s32 s20, s23;
	[sflag:s13] =	ssyncadd.s32 $0xFFFFD000  }
0xb8: {  	[tilespmem:s28], [sflag:$0x4] =	stream.linear.gather [hbm4b:s11+s3], $0x60, $0x38;
	[tilespmem:$0x1F980] =	vst v63  }
0xb9: {  	s11 =	sadd.s32 $0xFFFFFFA0, s5  }
0xba: {  	[tilespmem:s30], [sflag:$0x1] =	stream.indirect.gather [hbm4b:s4+s29], $0x80, s11, s29, $0xb8;
	[tilespmem:$0x1F980] =	vst v63  }
0xbb: {  	_ =	swait.ge [sflag:s15], $0x60  }
0xbc: {  	[sflag:s15] =	ssyncset.done $0x0  }
0xbd: {  	[sflag:s15] =	ssyncadd.s32 $0xFFFFFFA0  }
0xbe: {  	_ =	swait.ge [sflag:s16], $0x3000  }
0xbf: {  	[sflag:s16] =	ssyncset.done $0x0  }
0xc0: {  	[sflag:s16] =	ssyncadd.s32 $0xFFFFD000  }
0xc1: {  	[spmem:s2] =	stream.indirect.scatter.add.f32 [tilespmem:s1], [sflag:$0x9], $0x80, s9, s29, $0xb8;
	[tilespmem:$0x1F980] =	vst v63  }
.Ltmp1:
0xc2: {  	_ =	swait.ge [sflag:s17], $0x3000;
	(pc) =	sbr.rel @p0 .LBB2_4-.Ltmp1, $4  }
0xc3: {  	[sflag:s17] =	ssyncset.done $0x0  }
0xc4: {  	s11 =	sadd.s32 s20, s22;
	[sflag:s17] =	ssyncadd.s32 $0xFFFFD000  }
0xc5: {  	[tilespmem:s31], [sflag:$0x5] =	stream.linear.gather [hbm4b:s11+s3], $0x60, $0x38;
	[tilespmem:$0x1F980] =	vst v63  }
0xc6: {  	s5 =	sadd.s32 $0x120, s5  }
0xc7: {  	[tilespmem:s0], [sflag:$0x2] =	stream.indirect.gather [hbm4b:s4+s29], $0x80, s25, s29, $0xb8;
	[tilespmem:$0x1F980] =	vst v63  }
0xc8: {  	_ =	swait.ge [sflag:s6], $0x60  }
0xc9: {  	[sflag:s6] =	ssyncset.done $0x0  }
0xca: {  	[sflag:s6] =	ssyncadd.s32 $0xFFFFFFA0  }
0xcb: {  	_ =	swait.ge [sflag:s8], $0x3000  }
0xcc: {  	[sflag:s8] =	ssyncset.done $0x0  }
0xcd: {  	[sflag:s8] =	ssyncadd.s32 $0xFFFFD000  }
0xce: {  	[spmem:s2] =	stream.indirect.scatter.add.f32 [tilespmem:s30], [sflag:$0x7], $0x80, s28, s29, $0xb8;
	[tilespmem:$0x1F980] =	vst v63  }
0xcf: {  	_ =	swait.ge [sflag:s18], $0x3000  }
0xd0: {  	[sflag:s18] =	ssyncset.done $0x0  }
0xd1: {  	[sflag:s18] =	ssyncadd.s32 $0xFFFFD000  }
0xd2: {  	_ =	swait.ge [sflag:s10], $0x60  }
0xd3: {  	[sflag:s10] =	ssyncset.done $0x0  }
0xd4: {  	[sflag:s10] =	ssyncadd.s32 $0xFFFFFFA0  }
0xd5: {  	_ =	swait.ge [sflag:s12], $0x3000  }
0xd6: {  	[sflag:s12] =	ssyncset.done $0x0  }
0xd7: {  	[sflag:s12] =	ssyncadd.s32 $0xFFFFD000  }
0xd8: {  	[spmem:s2] =	stream.indirect.scatter.add.f32 [tilespmem:s0], [sflag:$0x8], $0x80, s31, s29, $0xb8;
	[tilespmem:$0x1F980] =	vst v63  }
0xd9: {  	_ =	swait.ge [sflag:s13], $0x3000  }
0xda: {  	[sflag:s13] =	ssyncset.done $0x0  }
0xdb: {  	[sflag:s13] =	ssyncadd.s32 $0xFFFFD000  }
0xdc: {  	_ =	swait.ge [sflag:s17], $0x3000  }
0xdd: {  	[sflag:s17] =	ssyncset.done $0x0  }
0xde: {  	s11 =	simm.s32 $0x2900;
	s5 =	rddreg [dreg:$0xc];
	[sflag:s17] =	ssyncadd.s32 $0xFFFFD000  }
0xdf: {  	[tilespmem:s11], [sflag:$0x4] =	stream.linear.gather [hbm4b:s5+s3], $0x10, $0x38;
	[tilespmem:$0x1F980] =	vst v63  }
0xe0: {  	s25 =	simm.s32 $0x10;
	s19 =	simm.s32 $0x2700  }
0xe1: {  	[tilespmem:s30], [sflag:$0x1] =	stream.indirect.gather [hbm4b:s4+s25], $0x80, s19, s25, $0xb8;
	[tilespmem:$0x1F980] =	vst v63  }
0xe2: {  	_ =	swait.ge [sflag:s6], $0x10  }
0xe3: {  	[sflag:s6] =	ssyncset.done $0x0  }
0xe4: {  	[sflag:s6] =	ssyncadd.s32 $0xFFFFFFF0  }
0xe5: {  	_ =	swait.ge [sflag:s8], $0x800  }
0xe6: {  	[sflag:s8] =	ssyncset.done $0x0  }
0xe7: {  	[sflag:s8] =	ssyncadd.s32 $0xFFFFF800  }
0xe8: {  	[spmem:s2] =	stream.indirect.scatter.add.f32 [tilespmem:s30], [sflag:$0xA], $0x80, s11, s25, $0xb8;
	[tilespmem:$0x1F980] =	vst v63  }
0xe9: {  	_ =	swait.ge [sflag:s26], $0x800  }
0xea: {  	[sflag:s26] =	ssyncset.done $0x0  }
0xeb: {  	s19 =	stileid.u32;
	[sflag:s26] =	ssyncadd.s32 $0xFFFFF800  }
0xec: {  	s5 =	sshll.u32 s19, $0x6;
	[bflag:$0x0] =	sbarrier.arrive $0xFFFF  }
0xed: {  	s20 =	sshrl.u32 s7, $0x3;
	s5 =	sor.u32 $0x1C0A, s5;
	s25 =	rddreg [dreg:$0xd]  }
0xee: {  	[hbm:s25], [sflag:s5] =	dma.local [spmem:s20], $0x1200  }
0xef: {  	_ =	swait.ge [sflag:s26], $0x1200  }
0xf0: {  	[sflag:s26] =	ssyncset.done $0x0;
	s20 =	rddreg [dreg:$0x9]  }
0xf1: {  	s25 =	rddreg [dreg:$0xe];
	[sflag:s26] =	ssyncadd.s32 $0xFFFFEE00;
	s11 =	sshrl.u32 s20, $0x3  }
0xf2: {  	[hbm:s25], [sflag:s5] =	dma.local [spmem:s11], $0x1200  }
0xf3: {  	_ =	swait.ge [sflag:s26], $0x1200  }
0xf4: {  	[sflag:s26] =	ssyncset.done $0x0  }
0xf5: {  	s19 =	sshrl.u32 s14, $0x3;
	s20 =	rddreg [dreg:$0xf];
	[sflag:s26] =	ssyncadd.s32 $0xFFFFEE00  }
0xf6: {  	[hbm:s20], [sflag:s5] =	dma.local [spmem:s19], $0x400  }
0xf7: {  	_ =	swait.ge [sflag:s26], $0x400  }
0xf8: {  	s21 =	sadd.s32 $0x1, s21;
	s25 =	rddreg [dreg:$0x10]  }
0xf9: {  	p0 =	sne.s32 s21, s25  }
.Ltmp2:
0xfa: {  	_ = 	snop;
	(pc) =	sbr.rel @p0 .LBB2_1-.Ltmp2, $3  }
0xfb: {  	_ =	sdelay $0x1  }
0xfc: {  	[sflag:s26] =	ssyncset.done $0x0  }
0xfd: {  	[sflag:s26] =	ssyncadd.s32 $0xFFFFFC00  }
0xfe: {  	_ =	sfence.sel $0x180000  }
0xff: {  	[bflag:$0x0] =	sbarrier.arrive $0xFFFF  }
0x100: {  	_ =	strace $0x9000004A  }
0x101: {  	s0 =	stileid.u32;
	[bflag:$0x2] =	sbarrier.arrive $0xFFFF  }
0x102: {  	p0 =	sne.s32 s0, $0x0;
	s0 =	rddreg [dreg:$0x3]  }
0x103: {  	s0 =	sadd.s32 @!p0 $0x100000, s0  }
0x104: {  	[sflag:s0] =	ssyncadd.tile.s32 @!p0 $0x1;
	_ =	shalt  }
.Lfunc_end2:
_tile_overlayer_lowered:
.L_overlay_start_2:
0x105: {  	(tag) =	ssettag $0x2  }
0x106: {  	s0 =	rddreg [dreg:$0x0];
	s2 =	stileid.u32  }
0x107: {  	s1 =	rddreg [dreg:$0x1];
	p0 =	sne.s32 s2, $0x0  }
0x108: {  	s3 =	rddreg [dreg:$0x2];
	[bflag:$0x3] =	sbarrier.arrive $0xFFFF;
	s2 =	simm.s32 @!p0 $0x1C0A  }
0x109: {  	[timem:s3], [sflag:s2] =	dma.local @!p0 [hbm:s0], s1  }
0x10a: {  	s0 =	simm.s32 @!p0 $0xA  }
0x10b: {  	_ =	swait.ge @!p0 [sflag:s0], s1  }
0x10c: {  	s1 =	ssub.s32 @!p0 $0x0, s1;
	[sflag:s0] =	ssyncset.done @!p0 $0x0  }
0x10d: {  	[sflag:s0] =	ssyncadd.s32 @!p0 s1  }
0x10e: {  	[bflag:$0x3] =	sbarrier.arrive $0xFFFF  }
0x10f: {  	_ =	shalt  }

</sc_bundles>
